<compile_context>
chip_gen: v7x
topology: tpu7x:2x2x1
jax: 0.10.2.dev20260603
libtpu: 0.0.44.dev20260713+nightly
codegen_flags: <defaults>
</compile_context>

<pallas_src>
import functools

import jax
import jax.numpy as jnp
from jax import lax
from jax.experimental import pallas as pl
from jax.experimental.pallas import tpu as pltpu
from jax.experimental.pallas import tpu_sc as plsc

BATCH = 4096
HIDDEN = 128
_INFO = plsc.get_sparse_core_info()
NC, NS, L = _INFO.num_cores, _INFO.num_subcores, _INFO.num_lanes
NW = NC * NS
RPW = BATCH // NW
LANE_CHUNKS = HIDDEN // L
NCHUNK = 2
RPC = RPW // NCHUNK


NUSER = 100000
NITEM = 100000


def _vtbpr_body(users_hbm, items_hbm, vf_hbm, tf_hbm,
                ug_hbm, ig_hbm, ubeta_hbm, ibeta_hbm, tuv_hbm, tut_hbm,
                out_hbm,
                uidx_v, iidx_v, ug_v, ig_v, tuv_v, tut_v, vf_v, tf_v,
                ub_v, ib_v, out_v, ubs_s, ibs_s, sems, bsem, fsem, tsem):
    s_idx = lax.axis_index("s")
    wid = s_idx * NC + lax.axis_index("c")
    base = wid * RPW

    icopies = [
        pltpu.async_copy(users_hbm.at[pl.ds(base, RPW)], uidx_v, bsem),
        pltpu.async_copy(items_hbm.at[pl.ds(base, RPW)], iidx_v, bsem),
    ]
    fcopies = [
        pltpu.async_copy(vf_hbm.at[pl.ds(base, RPW)], vf_v, fsem),
        pltpu.async_copy(tf_hbm.at[pl.ds(base, RPW)], tf_v, fsem),
    ]
    @pl.when(s_idx == 0)
    def _():
        pltpu.async_copy(ubeta_hbm.at[0], ubs_s, tsem)
        pltpu.async_copy(ibeta_hbm.at[0], ibs_s, tsem)

    for h in icopies:
        h.wait()

    def fire(c):
        rs = pl.ds(c * RPC, RPC)
        sem = sems.at[c]
        return [
            pltpu.async_copy(ug_hbm.at[uidx_v.at[rs]], ug_v.at[rs], sem),
            pltpu.async_copy(ig_hbm.at[iidx_v.at[rs]], ig_v.at[rs], sem),
            pltpu.async_copy(tuv_hbm.at[uidx_v.at[rs]], tuv_v.at[rs], sem),
            pltpu.async_copy(tut_hbm.at[uidx_v.at[rs]], tut_v.at[rs], sem),
        ]

    last_lane = lax.broadcasted_iota(jnp.int32, (L,), 0) == (L - 1)

    handles = {0: fire(0)}
    for c in range(NCHUNK):
        for h in handles.pop(c):
            h.wait()
        if c + 1 < NCHUNK:
            handles[c + 1] = fire(c + 1)
        if c == 0:
            for h in fcopies:
                h.wait()

        @plsc.parallel_loop(c * RPC, (c + 1) * RPC, unroll=2)
        def row(r):
            acc = ug_v[r, pl.ds(0, L)] * ig_v[r, pl.ds(0, L)]
            for j in range(LANE_CHUNKS):
                sl = pl.ds(j * L, L)
                if j:
                    acc = acc + ug_v[r, sl] * ig_v[r, sl]
                acc = acc + tuv_v[r, sl] * vf_v[r, sl]
                acc = acc + tut_v[r, sl] * tf_v[r, sl]
            tot = plsc.cumsum(acc)
            idx = jnp.full((L,), r, jnp.int32)
            plsc.store_scatter(out_v, [idx], tot, mask=last_lane)

    @pl.when(s_idx == 0)
    def _():
        pltpu.make_async_copy(ubeta_hbm.at[0], ubs_s, tsem).wait()
        pltpu.make_async_copy(ibeta_hbm.at[0], ibs_s, tsem).wait()

    plsc.subcore_barrier()
    bcopies = [
        pltpu.async_copy(ubs_s.at[uidx_v], ub_v, bsem),
        pltpu.async_copy(ibs_s.at[iidx_v], ib_v, bsem),
    ]
    for h in bcopies:
        h.wait()
    for j in range(RPW // L):
        sl = pl.ds(j * L, L)
        out_v[sl] = out_v[sl] + ub_v[sl] + ib_v[sl]

    pltpu.sync_copy(out_v, out_hbm.at[pl.ds(base, RPW)])


@jax.jit
def _vtbpr(users, items, vf, tf, ug, ig, ubeta, ibeta, tuv, tut):
    mesh = plsc.VectorSubcoreMesh(core_axis_name="c", subcore_axis_name="s")
    run = functools.partial(
        pl.kernel, mesh=mesh,
        compiler_params=pltpu.CompilerParams(
            needs_layout_passes=False,
            disable_bounds_checks=True,
            disable_semaphore_checks=True,
            skip_device_barrier=True,
        ),
        out_type=jax.ShapeDtypeStruct((BATCH,), jnp.float32),
        scratch_types=[
            pltpu.VMEM((RPW,), jnp.int32),
            pltpu.VMEM((RPW,), jnp.int32),
            pltpu.VMEM((RPW, HIDDEN), jnp.float32),
            pltpu.VMEM((RPW, HIDDEN), jnp.float32),
            pltpu.VMEM((RPW, HIDDEN), jnp.float32),
            pltpu.VMEM((RPW, HIDDEN), jnp.float32),
            pltpu.VMEM((RPW, HIDDEN), jnp.float32),
            pltpu.VMEM((RPW, HIDDEN), jnp.float32),
            pltpu.VMEM((RPW,), jnp.float32),
            pltpu.VMEM((RPW,), jnp.float32),
            pltpu.VMEM((RPW,), jnp.float32),
            pltpu.VMEM_SHARED((NUSER,), jnp.float32),
            pltpu.VMEM_SHARED((NITEM,), jnp.float32),
            pltpu.SemaphoreType.DMA((NCHUNK,)),
            pltpu.SemaphoreType.DMA,
            pltpu.SemaphoreType.DMA,
            pltpu.SemaphoreType.DMA,
        ],
    )(_vtbpr_body)
    return run(users, items, vf, tf, ug, ig, ubeta, ibeta, tuv, tut)


def kernel(users, items, visual_features, textural_features,
           user_gama, item_gama, user_beta, item_beta,
           theta_user_visual, theta_user_text):
    return _vtbpr(users, items, visual_features, textural_features,
                  user_gama, item_gama,
                  user_beta.T, item_beta.T,
                  theta_user_visual, theta_user_text)

# --- scband reference (transcript-rebuilt; emitter-appended) ---
"""Pipeline reference for scband-vtbpr-84275848282700 (READ-ONLY COPY).

The authoritative reference and input builder live on the scoring server;
editing this copy changes nothing except your own understanding.
"""

import jax, jax.numpy as jnp
import numpy as np

NUM_USERS = 100000
NUM_ITEMS = 100000
HIDDEN = 128
BATCH = 4096


def setup_inputs(seed: int = 0) -> dict:
    key = jax.random.key(seed)
    ks = jax.random.split(key, 10)
    users = jax.random.randint(ks[0], (BATCH,), 0, NUM_USERS, dtype=jnp.int64 if jax.config.jax_enable_x64 else jnp.int32).astype(jnp.int32)
    items = jax.random.randint(ks[1], (BATCH,), 0, NUM_ITEMS, dtype=jnp.int32)
    visual_features = jax.random.normal(ks[2], (BATCH, HIDDEN), dtype=jnp.float32)
    textural_features = jax.random.normal(ks[3], (BATCH, HIDDEN), dtype=jnp.float32)
    # learned parameters, init uniform_(w, 0, 0.01) as in the torch module
    user_gama = jax.random.uniform(ks[4], (NUM_USERS, HIDDEN), dtype=jnp.float32, minval=0.0, maxval=0.01)
    item_gama = jax.random.uniform(ks[5], (NUM_ITEMS, HIDDEN), dtype=jnp.float32, minval=0.0, maxval=0.01)
    user_beta = jax.random.uniform(ks[6], (NUM_USERS, 1), dtype=jnp.float32, minval=0.0, maxval=0.01)
    item_beta = jax.random.uniform(ks[7], (NUM_ITEMS, 1), dtype=jnp.float32, minval=0.0, maxval=0.01)
    theta_user_visual = jax.random.uniform(ks[8], (NUM_USERS, HIDDEN), dtype=jnp.float32, minval=0.0, maxval=0.01)
    theta_user_text = jax.random.uniform(ks[9], (NUM_USERS, HIDDEN), dtype=jnp.float32, minval=0.0, maxval=0.01)
    return {
        "users": users,
        "items": items,
        "visual_features": visual_features,
        "textural_features": textural_features,
        "user_gama": user_gama,
        "item_gama": item_gama,
        "user_beta": user_beta,
        "item_beta": item_beta,
        "theta_user_visual": theta_user_visual,
        "theta_user_text": theta_user_text,
    }


def reference(users, items, visual_features, textural_features,
              user_gama, item_gama, user_beta, item_beta,
              theta_user_visual, theta_user_text):
    # BPR.forward: beta_i + beta_u + <gamma_u, gamma_i> via per-row bmm
    ug = jnp.take(user_gama, users, axis=0)            # [B, H]
    ig = jnp.take(item_gama, items, axis=0)            # [B, H]
    ub = jnp.take(user_beta, users, axis=0).reshape(-1)  # [B]
    ib = jnp.take(item_beta, items, axis=0).reshape(-1)  # [B]
    bpr = ib + ub + jnp.sum(ug * ig, axis=-1)
    # VTBPR visual/text terms: <theta_u^vis, f_vis> + <theta_u^txt, f_txt>
    tuv = jnp.take(theta_user_visual, users, axis=0)   # [B, H]
    tut = jnp.take(theta_user_text, users, axis=0)     # [B, H]
    vis = jnp.sum(tuv * visual_features, axis=-1)
    txt = jnp.sum(tut * textural_features, axis=-1)
    return bpr + vis + txt

if __name__ == "__main__":
    import jax
    _d = setup_inputs()
    print(jax.jit(kernel)(*tuple(_d.values())))

</pallas_src>

<mosaic_0001>
#map = affine_map<(d0, d1) -> (0)>
#map1 = affine_map<(d0, d1) -> (0, 0)>
module attributes {stable_mosaic.version = 14 : i64} {
  func.func @_vtbpr_body(%arg0: i32, %arg1: i32, %arg2: memref<4096xi32, #tpu.memory_space<hbm>>, %arg3: memref<4096xi32, #tpu.memory_space<hbm>>, %arg4: memref<4096x128xf32, #tpu.memory_space<hbm>>, %arg5: memref<4096x128xf32, #tpu.memory_space<hbm>>, %arg6: memref<100000x128xf32, #tpu.memory_space<hbm>>, %arg7: memref<100000x128xf32, #tpu.memory_space<hbm>>, %arg8: memref<1x100000xf32, #tpu.memory_space<hbm>>, %arg9: memref<1x100000xf32, #tpu.memory_space<hbm>>, %arg10: memref<100000x128xf32, #tpu.memory_space<hbm>>, %arg11: memref<100000x128xf32, #tpu.memory_space<hbm>>, %arg12: memref<4096xf32, #tpu.memory_space<hbm>>, %arg13: memref<128xi32, #tpu.memory_space<vmem>>, %arg14: memref<128xi32, #tpu.memory_space<vmem>>, %arg15: memref<128x128xf32, #tpu.memory_space<vmem>>, %arg16: memref<128x128xf32, #tpu.memory_space<vmem>>, %arg17: memref<128x128xf32, #tpu.memory_space<vmem>>, %arg18: memref<128x128xf32, #tpu.memory_space<vmem>>, %arg19: memref<128x128xf32, #tpu.memory_space<vmem>>, %arg20: memref<128x128xf32, #tpu.memory_space<vmem>>, %arg21: memref<128xf32, #tpu.memory_space<vmem>>, %arg22: memref<128xf32, #tpu.memory_space<vmem>>, %arg23: memref<128xf32, #tpu.memory_space<vmem>>, %arg24: memref<100000xf32, #tpu.memory_space<vmem_shared>>, %arg25: memref<100000xf32, #tpu.memory_space<vmem_shared>>, %arg26: memref<2x!tpu.dma_semaphore, #tpu.memory_space<semaphore_mem>>, %arg27: memref<!tpu.dma_semaphore, #tpu.memory_space<semaphore_mem>>, %arg28: memref<!tpu.dma_semaphore, #tpu.memory_space<semaphore_mem>>, %arg29: memref<!tpu.dma_semaphore, #tpu.memory_space<semaphore_mem>>) attributes {dimension_semantics = [#tpu.dimension_semantics<core_parallel>, #tpu.dimension_semantics<subcore_parallel>], iteration_bounds = array<i64: 2, 16>, scalar_prefetch = 0 : i64, scratch_operands = 17 : i64, tpu.core_type = #tpu.core_type<sc_vector_subcore>, window_params = [{transform_indices = #map}, {transform_indices = #map}, {transform_indices = #map1}, {transform_indices = #map1}, {transform_indices = #map1}, {transform_indices = #map1}, {transform_indices = #map1}, {transform_indices = #map1}, {transform_indices = #map1}, {transform_indices = #map1}, {transform_indices = #map}]} {
    %mul3A = arith.constant 2 : i32
    %mul3A_0 = arith.muli %arg1, %mul3A : i32
    %add3A = arith.addi %mul3A_0, %arg0 : i32
    %mul3A_1 = arith.constant 128 : i32
    %mul3A_2 = arith.muli %add3A, %mul3A_1 : i32
    %dma_start3A = tpu.memref_slice %arg2[%mul3A_2] : memref<4096xi32, #tpu.memory_space<hbm>> -> memref<128xi32, #tpu.memory_space<hbm>>
    %dma_start3A_3 = tpu.memref_slice %arg2[%mul3A_2] : memref<4096xi32, #tpu.memory_space<hbm>> -> memref<128xi32, #tpu.memory_space<hbm>>
    tpu.enqueue_dma source(%dma_start3A_3 : memref<128xi32, #tpu.memory_space<hbm>>) target(%arg13 : memref<128xi32, #tpu.memory_space<vmem>>) target_semaphore(%arg27 : memref<!tpu.dma_semaphore, #tpu.memory_space<semaphore_mem>>)
    %dma_start3A_4 = tpu.memref_slice %arg3[%mul3A_2] : memref<4096xi32, #tpu.memory_space<hbm>> -> memref<128xi32, #tpu.memory_space<hbm>>
    %dma_start3A_5 = tpu.memref_slice %arg3[%mul3A_2] : memref<4096xi32, #tpu.memory_space<hbm>> -> memref<128xi32, #tpu.memory_space<hbm>>
    tpu.enqueue_dma source(%dma_start3A_5 : memref<128xi32, #tpu.memory_space<hbm>>) target(%arg14 : memref<128xi32, #tpu.memory_space<vmem>>) target_semaphore(%arg27 : memref<!tpu.dma_semaphore, #tpu.memory_space<semaphore_mem>>)
    %dma_start3A_6 = arith.constant 0 : i32
    %dma_start3A_7 = tpu.memref_slice %arg4[%mul3A_2, %dma_start3A_6] : memref<4096x128xf32, #tpu.memory_space<hbm>> -> memref<128x128xf32, #tpu.memory_space<hbm>>
    %dma_start3A_8 = arith.constant 0 : i32
    %dma_start3A_9 = tpu.memref_slice %arg4[%mul3A_2, %dma_start3A_8] : memref<4096x128xf32, #tpu.memory_space<hbm>> -> memref<128x128xf32, #tpu.memory_space<hbm>>
    tpu.enqueue_dma source(%dma_start3A_9 : memref<128x128xf32, #tpu.memory_space<hbm>>) target(%arg19 : memref<128x128xf32, #tpu.memory_space<vmem>>) target_semaphore(%arg28 : memref<!tpu.dma_semaphore, #tpu.memory_space<semaphore_mem>>)
    %dma_start3A_10 = arith.constant 0 : i32
    %dma_start3A_11 = tpu.memref_slice %arg5[%mul3A_2, %dma_start3A_10] : memref<4096x128xf32, #tpu.memory_space<hbm>> -> memref<128x128xf32, #tpu.memory_space<hbm>>
    %dma_start3A_12 = arith.constant 0 : i32
    %dma_start3A_13 = tpu.memref_slice %arg5[%mul3A_2, %dma_start3A_12] : memref<4096x128xf32, #tpu.memory_space<hbm>> -> memref<128x128xf32, #tpu.memory_space<hbm>>
    tpu.enqueue_dma source(%dma_start3A_13 : memref<128x128xf32, #tpu.memory_space<hbm>>) target(%arg20 : memref<128x128xf32, #tpu.memory_space<vmem>>) target_semaphore(%arg28 : memref<!tpu.dma_semaphore, #tpu.memory_space<semaphore_mem>>)
    %eq3A = arith.constant 0 : i32
    %eq3A_14 = arith.cmpi eq, %arg1, %eq3A : i32
    %convert_element_type3A = arith.extui %eq3A_14 : i1 to i32
    %cond3A = arith.constant 0 : i32
    %cond3A_15 = arith.cmpi ne, %convert_element_type3A, %cond3A : i32
    scf.if %cond3A_15 {
      %dma_start3A_302 = arith.constant 0 : i32
      %dma_start3A_303 = arith.constant 0 : i32
      %dma_start3A_304 = tpu.memref_slice %arg8[%dma_start3A_302, %dma_start3A_303] : memref<1x100000xf32, #tpu.memory_space<hbm>> -> memref<1x100000xf32, #tpu.memory_space<hbm>>
      %dma_start3A_305 = tpu.memref_squeeze %dma_start3A_304 : memref<1x100000xf32, #tpu.memory_space<hbm>> -> memref<100000xf32, #tpu.memory_space<hbm>>
      tpu.enqueue_dma source(%dma_start3A_305 : memref<100000xf32, #tpu.memory_space<hbm>>) target(%arg24 : memref<100000xf32, #tpu.memory_space<vmem_shared>>) target_semaphore(%arg29 : memref<!tpu.dma_semaphore, #tpu.memory_space<semaphore_mem>>)
      %dma_start3A_306 = arith.constant 0 : i32
      %dma_start3A_307 = arith.constant 0 : i32
      %dma_start3A_308 = tpu.memref_slice %arg9[%dma_start3A_306, %dma_start3A_307] : memref<1x100000xf32, #tpu.memory_space<hbm>> -> memref<1x100000xf32, #tpu.memory_space<hbm>>
      %dma_start3A_309 = tpu.memref_squeeze %dma_start3A_308 : memref<1x100000xf32, #tpu.memory_space<hbm>> -> memref<100000xf32, #tpu.memory_space<hbm>>
      tpu.enqueue_dma source(%dma_start3A_309 : memref<100000xf32, #tpu.memory_space<hbm>>) target(%arg25 : memref<100000xf32, #tpu.memory_space<vmem_shared>>) target_semaphore(%arg29 : memref<!tpu.dma_semaphore, #tpu.memory_space<semaphore_mem>>)
    } else {
    }
    %dma_wait3A = tpu.memref_slice %arg2[%mul3A_2] : memref<4096xi32, #tpu.memory_space<hbm>> -> memref<128xi32, #tpu.memory_space<hbm>>
    %dma_wait3A_16 = tpu.memref_slice %arg2[%mul3A_2] : memref<4096xi32, #tpu.memory_space<hbm>> -> memref<128xi32, #tpu.memory_space<hbm>>
    tpu.wait_dma2 semaphore(%arg27 : memref<!tpu.dma_semaphore, #tpu.memory_space<semaphore_mem>>) src(%dma_wait3A_16 : memref<128xi32, #tpu.memory_space<hbm>>) dst(%arg13 : memref<128xi32, #tpu.memory_space<vmem>>)
    %dma_wait3A_17 = tpu.memref_slice %arg3[%mul3A_2] : memref<4096xi32, #tpu.memory_space<hbm>> -> memref<128xi32, #tpu.memory_space<hbm>>
    %dma_wait3A_18 = tpu.memref_slice %arg3[%mul3A_2] : memref<4096xi32, #tpu.memory_space<hbm>> -> memref<128xi32, #tpu.memory_space<hbm>>
    tpu.wait_dma2 semaphore(%arg27 : memref<!tpu.dma_semaphore, #tpu.memory_space<semaphore_mem>>) src(%dma_wait3A_18 : memref<128xi32, #tpu.memory_space<hbm>>) dst(%arg14 : memref<128xi32, #tpu.memory_space<vmem>>)
    %iota3A = tpu.iota {dimensions = array<i32: 0>} : vector<16xi32>
    %eq3A_19 = arith.constant 15 : i32
    %eq3A_20 = vector.broadcast %eq3A_19 : i32 to vector<16xi32>
    %eq3A_21 = arith.cmpi eq, %iota3A, %eq3A_20 : vector<16xi32>
    %dma_start3A_22 = arith.constant 0 : i32
    %dma_start3A_23 = arith.constant 0 : i32
    %dma_start3A_24 = arith.constant 0 : i32
    %dma_start3A_25 = tpu.memref_slice %arg15[%dma_start3A_23, %dma_start3A_24] : memref<128x128xf32, #tpu.memory_space<vmem>> -> memref<64x128xf32, #tpu.memory_space<vmem>>
    %dma_start3A_26 = arith.constant 0 : i32
    %dma_start3A_27 = tpu.memref_slice %arg13[%dma_start3A_26] : memref<128xi32, #tpu.memory_space<vmem>> -> memref<64xi32, #tpu.memory_space<vmem>>
    %dma_start3A_28 = arith.constant 0 : i32
    %dma_start3A_29 = arith.constant 0 : i32
    %dma_start3A_30 = tpu.memref_slice %arg6[%dma_start3A_28, %dma_start3A_29] : memref<100000x128xf32, #tpu.memory_space<hbm>> -> memref<100000x128xf32, #tpu.memory_space<hbm>>
    %dma_start3A_31 = tpu.memref_slice %arg26[%dma_start3A_22] : memref<2x!tpu.dma_semaphore, #tpu.memory_space<semaphore_mem>> -> memref<1x!tpu.dma_semaphore, #tpu.memory_space<semaphore_mem>>
    %dma_start3A_32 = tpu.memref_squeeze %dma_start3A_31 : memref<1x!tpu.dma_semaphore, #tpu.memory_space<semaphore_mem>> -> memref<!tpu.dma_semaphore, #tpu.memory_space<semaphore_mem>>
    tpu.enqueue_indirect_dma source(%dma_start3A_30 : memref<100000x128xf32, #tpu.memory_space<hbm>>) target(%dma_start3A_25 : memref<64x128xf32, #tpu.memory_space<vmem>>) offsets(%dma_start3A_27 : memref<64xi32, #tpu.memory_space<vmem>>) semaphore(%dma_start3A_32 : memref<!tpu.dma_semaphore, #tpu.memory_space<semaphore_mem>>)
    %dma_start3A_33 = arith.constant 0 : i32
    %dma_start3A_34 = arith.constant 0 : i32
    %dma_start3A_35 = arith.constant 0 : i32
    %dma_start3A_36 = tpu.memref_slice %arg16[%dma_start3A_34, %dma_start3A_35] : memref<128x128xf32, #tpu.memory_space<vmem>> -> memref<64x128xf32, #tpu.memory_space<vmem>>
    %dma_start3A_37 = arith.constant 0 : i32
    %dma_start3A_38 = tpu.memref_slice %arg14[%dma_start3A_37] : memref<128xi32, #tpu.memory_space<vmem>> -> memref<64xi32, #tpu.memory_space<vmem>>
    %dma_start3A_39 = arith.constant 0 : i32
    %dma_start3A_40 = arith.constant 0 : i32
    %dma_start3A_41 = tpu.memref_slice %arg7[%dma_start3A_39, %dma_start3A_40] : memref<100000x128xf32, #tpu.memory_space<hbm>> -> memref<100000x128xf32, #tpu.memory_space<hbm>>
    %dma_start3A_42 = tpu.memref_slice %arg26[%dma_start3A_33] : memref<2x!tpu.dma_semaphore, #tpu.memory_space<semaphore_mem>> -> memref<1x!tpu.dma_semaphore, #tpu.memory_space<semaphore_mem>>
    %dma_start3A_43 = tpu.memref_squeeze %dma_start3A_42 : memref<1x!tpu.dma_semaphore, #tpu.memory_space<semaphore_mem>> -> memref<!tpu.dma_semaphore, #tpu.memory_space<semaphore_mem>>
    tpu.enqueue_indirect_dma source(%dma_start3A_41 : memref<100000x128xf32, #tpu.memory_space<hbm>>) target(%dma_start3A_36 : memref<64x128xf32, #tpu.memory_space<vmem>>) offsets(%dma_start3A_38 : memref<64xi32, #tpu.memory_space<vmem>>) semaphore(%dma_start3A_43 : memref<!tpu.dma_semaphore, #tpu.memory_space<semaphore_mem>>)
    %dma_start3A_44 = arith.constant 0 : i32
    %dma_start3A_45 = arith.constant 0 : i32
    %dma_start3A_46 = arith.constant 0 : i32
    %dma_start3A_47 = tpu.memref_slice %arg17[%dma_start3A_45, %dma_start3A_46] : memref<128x128xf32, #tpu.memory_space<vmem>> -> memref<64x128xf32, #tpu.memory_space<vmem>>
    %dma_start3A_48 = arith.constant 0 : i32
    %dma_start3A_49 = tpu.memref_slice %arg13[%dma_start3A_48] : memref<128xi32, #tpu.memory_space<vmem>> -> memref<64xi32, #tpu.memory_space<vmem>>
    %dma_start3A_50 = arith.constant 0 : i32
    %dma_start3A_51 = arith.constant 0 : i32
    %dma_start3A_52 = tpu.memref_slice %arg10[%dma_start3A_50, %dma_start3A_51] : memref<100000x128xf32, #tpu.memory_space<hbm>> -> memref<100000x128xf32, #tpu.memory_space<hbm>>
    %dma_start3A_53 = tpu.memref_slice %arg26[%dma_start3A_44] : memref<2x!tpu.dma_semaphore, #tpu.memory_space<semaphore_mem>> -> memref<1x!tpu.dma_semaphore, #tpu.memory_space<semaphore_mem>>
    %dma_start3A_54 = tpu.memref_squeeze %dma_start3A_53 : memref<1x!tpu.dma_semaphore, #tpu.memory_space<semaphore_mem>> -> memref<!tpu.dma_semaphore, #tpu.memory_space<semaphore_mem>>
    tpu.enqueue_indirect_dma source(%dma_start3A_52 : memref<100000x128xf32, #tpu.memory_space<hbm>>) target(%dma_start3A_47 : memref<64x128xf32, #tpu.memory_space<vmem>>) offsets(%dma_start3A_49 : memref<64xi32, #tpu.memory_space<vmem>>) semaphore(%dma_start3A_54 : memref<!tpu.dma_semaphore, #tpu.memory_space<semaphore_mem>>)
    %dma_start3A_55 = arith.constant 0 : i32
    %dma_start3A_56 = arith.constant 0 : i32
    %dma_start3A_57 = arith.constant 0 : i32
    %dma_start3A_58 = tpu.memref_slice %arg18[%dma_start3A_56, %dma_start3A_57] : memref<128x128xf32, #tpu.memory_space<vmem>> -> memref<64x128xf32, #tpu.memory_space<vmem>>
    %dma_start3A_59 = arith.constant 0 : i32
    %dma_start3A_60 = tpu.memref_slice %arg13[%dma_start3A_59] : memref<128xi32, #tpu.memory_space<vmem>> -> memref<64xi32, #tpu.memory_space<vmem>>
    %dma_start3A_61 = arith.constant 0 : i32
    %dma_start3A_62 = arith.constant 0 : i32
    %dma_start3A_63 = tpu.memref_slice %arg11[%dma_start3A_61, %dma_start3A_62] : memref<100000x128xf32, #tpu.memory_space<hbm>> -> memref<100000x128xf32, #tpu.memory_space<hbm>>
    %dma_start3A_64 = tpu.memref_slice %arg26[%dma_start3A_55] : memref<2x!tpu.dma_semaphore, #tpu.memory_space<semaphore_mem>> -> memref<1x!tpu.dma_semaphore, #tpu.memory_space<semaphore_mem>>
    %dma_start3A_65 = tpu.memref_squeeze %dma_start3A_64 : memref<1x!tpu.dma_semaphore, #tpu.memory_space<semaphore_mem>> -> memref<!tpu.dma_semaphore, #tpu.memory_space<semaphore_mem>>
    tpu.enqueue_indirect_dma source(%dma_start3A_63 : memref<100000x128xf32, #tpu.memory_space<hbm>>) target(%dma_start3A_58 : memref<64x128xf32, #tpu.memory_space<vmem>>) offsets(%dma_start3A_60 : memref<64xi32, #tpu.memory_space<vmem>>) semaphore(%dma_start3A_65 : memref<!tpu.dma_semaphore, #tpu.memory_space<semaphore_mem>>)
    %dma_wait3A_66 = arith.constant 0 : i32
    %dma_wait3A_67 = arith.constant 0 : i32
    %dma_wait3A_68 = arith.constant 0 : i32
    %dma_wait3A_69 = tpu.memref_slice %arg15[%dma_wait3A_67, %dma_wait3A_68] : memref<128x128xf32, #tpu.memory_space<vmem>> -> memref<64x128xf32, #tpu.memory_space<vmem>>
    %dma_wait3A_70 = arith.constant 0 : i32
    %dma_wait3A_71 = tpu.memref_slice %arg13[%dma_wait3A_70] : memref<128xi32, #tpu.memory_space<vmem>> -> memref<64xi32, #tpu.memory_space<vmem>>
    %dma_wait3A_72 = arith.constant 0 : i32
    %dma_wait3A_73 = arith.constant 0 : i32
    %dma_wait3A_74 = tpu.memref_slice %arg6[%dma_wait3A_72, %dma_wait3A_73] : memref<100000x128xf32, #tpu.memory_space<hbm>> -> memref<100000x128xf32, #tpu.memory_space<hbm>>
    %dma_wait3A_75 = tpu.memref_slice %arg26[%dma_wait3A_66] : memref<2x!tpu.dma_semaphore, #tpu.memory_space<semaphore_mem>> -> memref<1x!tpu.dma_semaphore, #tpu.memory_space<semaphore_mem>>
    %dma_wait3A_76 = tpu.memref_squeeze %dma_wait3A_75 : memref<1x!tpu.dma_semaphore, #tpu.memory_space<semaphore_mem>> -> memref<!tpu.dma_semaphore, #tpu.memory_space<semaphore_mem>>
    tpu.wait_indirect_dma semaphore(%dma_wait3A_76 : memref<!tpu.dma_semaphore, #tpu.memory_space<semaphore_mem>>) src(%dma_wait3A_74 : memref<100000x128xf32, #tpu.memory_space<hbm>>) dst(%dma_wait3A_69 : memref<64x128xf32, #tpu.memory_space<vmem>>)
    %dma_wait3A_77 = arith.constant 0 : i32
    %dma_wait3A_78 = arith.constant 0 : i32
    %dma_wait3A_79 = arith.constant 0 : i32
    %dma_wait3A_80 = tpu.memref_slice %arg16[%dma_wait3A_78, %dma_wait3A_79] : memref<128x128xf32, #tpu.memory_space<vmem>> -> memref<64x128xf32, #tpu.memory_space<vmem>>
    %dma_wait3A_81 = arith.constant 0 : i32
    %dma_wait3A_82 = tpu.memref_slice %arg14[%dma_wait3A_81] : memref<128xi32, #tpu.memory_space<vmem>> -> memref<64xi32, #tpu.memory_space<vmem>>
    %dma_wait3A_83 = arith.constant 0 : i32
    %dma_wait3A_84 = arith.constant 0 : i32
    %dma_wait3A_85 = tpu.memref_slice %arg7[%dma_wait3A_83, %dma_wait3A_84] : memref<100000x128xf32, #tpu.memory_space<hbm>> -> memref<100000x128xf32, #tpu.memory_space<hbm>>
    %dma_wait3A_86 = tpu.memref_slice %arg26[%dma_wait3A_77] : memref<2x!tpu.dma_semaphore, #tpu.memory_space<semaphore_mem>> -> memref<1x!tpu.dma_semaphore, #tpu.memory_space<semaphore_mem>>
    %dma_wait3A_87 = tpu.memref_squeeze %dma_wait3A_86 : memref<1x!tpu.dma_semaphore, #tpu.memory_space<semaphore_mem>> -> memref<!tpu.dma_semaphore, #tpu.memory_space<semaphore_mem>>
    tpu.wait_indirect_dma semaphore(%dma_wait3A_87 : memref<!tpu.dma_semaphore, #tpu.memory_space<semaphore_mem>>) src(%dma_wait3A_85 : memref<100000x128xf32, #tpu.memory_space<hbm>>) dst(%dma_wait3A_80 : memref<64x128xf32, #tpu.memory_space<vmem>>)
    %dma_wait3A_88 = arith.constant 0 : i32
    %dma_wait3A_89 = arith.constant 0 : i32
    %dma_wait3A_90 = arith.constant 0 : i32
    %dma_wait3A_91 = tpu.memref_slice %arg17[%dma_wait3A_89, %dma_wait3A_90] : memref<128x128xf32, #tpu.memory_space<vmem>> -> memref<64x128xf32, #tpu.memory_space<vmem>>
    %dma_wait3A_92 = arith.constant 0 : i32
    %dma_wait3A_93 = tpu.memref_slice %arg13[%dma_wait3A_92] : memref<128xi32, #tpu.memory_space<vmem>> -> memref<64xi32, #tpu.memory_space<vmem>>
    %dma_wait3A_94 = arith.constant 0 : i32
    %dma_wait3A_95 = arith.constant 0 : i32
    %dma_wait3A_96 = tpu.memref_slice %arg10[%dma_wait3A_94, %dma_wait3A_95] : memref<100000x128xf32, #tpu.memory_space<hbm>> -> memref<100000x128xf32, #tpu.memory_space<hbm>>
    %dma_wait3A_97 = tpu.memref_slice %arg26[%dma_wait3A_88] : memref<2x!tpu.dma_semaphore, #tpu.memory_space<semaphore_mem>> -> memref<1x!tpu.dma_semaphore, #tpu.memory_space<semaphore_mem>>
    %dma_wait3A_98 = tpu.memref_squeeze %dma_wait3A_97 : memref<1x!tpu.dma_semaphore, #tpu.memory_space<semaphore_mem>> -> memref<!tpu.dma_semaphore, #tpu.memory_space<semaphore_mem>>
    tpu.wait_indirect_dma semaphore(%dma_wait3A_98 : memref<!tpu.dma_semaphore, #tpu.memory_space<semaphore_mem>>) src(%dma_wait3A_96 : memref<100000x128xf32, #tpu.memory_space<hbm>>) dst(%dma_wait3A_91 : memref<64x128xf32, #tpu.memory_space<vmem>>)
    %dma_wait3A_99 = arith.constant 0 : i32
    %dma_wait3A_100 = arith.constant 0 : i32
    %dma_wait3A_101 = arith.constant 0 : i32
    %dma_wait3A_102 = tpu.memref_slice %arg18[%dma_wait3A_100, %dma_wait3A_101] : memref<128x128xf32, #tpu.memory_space<vmem>> -> memref<64x128xf32, #tpu.memory_space<vmem>>
    %dma_wait3A_103 = arith.constant 0 : i32
    %dma_wait3A_104 = tpu.memref_slice %arg13[%dma_wait3A_103] : memref<128xi32, #tpu.memory_space<vmem>> -> memref<64xi32, #tpu.memory_space<vmem>>
    %dma_wait3A_105 = arith.constant 0 : i32
    %dma_wait3A_106 = arith.constant 0 : i32
    %dma_wait3A_107 = tpu.memref_slice %arg11[%dma_wait3A_105, %dma_wait3A_106] : memref<100000x128xf32, #tpu.memory_space<hbm>> -> memref<100000x128xf32, #tpu.memory_space<hbm>>
    %dma_wait3A_108 = tpu.memref_slice %arg26[%dma_wait3A_99] : memref<2x!tpu.dma_semaphore, #tpu.memory_space<semaphore_mem>> -> memref<1x!tpu.dma_semaphore, #tpu.memory_space<semaphore_mem>>
    %dma_wait3A_109 = tpu.memref_squeeze %dma_wait3A_108 : memref<1x!tpu.dma_semaphore, #tpu.memory_space<semaphore_mem>> -> memref<!tpu.dma_semaphore, #tpu.memory_space<semaphore_mem>>
    tpu.wait_indirect_dma semaphore(%dma_wait3A_109 : memref<!tpu.dma_semaphore, #tpu.memory_space<semaphore_mem>>) src(%dma_wait3A_107 : memref<100000x128xf32, #tpu.memory_space<hbm>>) dst(%dma_wait3A_102 : memref<64x128xf32, #tpu.memory_space<vmem>>)
    %dma_start3A_110 = arith.constant 1 : i32
    %dma_start3A_111 = arith.constant 64 : i32
    %dma_start3A_112 = arith.constant 0 : i32
    %dma_start3A_113 = tpu.memref_slice %arg15[%dma_start3A_111, %dma_start3A_112] : memref<128x128xf32, #tpu.memory_space<vmem>> -> memref<64x128xf32, #tpu.memory_space<vmem>>
    %dma_start3A_114 = arith.constant 64 : i32
    %dma_start3A_115 = tpu.memref_slice %arg13[%dma_start3A_114] : memref<128xi32, #tpu.memory_space<vmem>> -> memref<64xi32, #tpu.memory_space<vmem>>
    %dma_start3A_116 = arith.constant 0 : i32
    %dma_start3A_117 = arith.constant 0 : i32
    %dma_start3A_118 = tpu.memref_slice %arg6[%dma_start3A_116, %dma_start3A_117] : memref<100000x128xf32, #tpu.memory_space<hbm>> -> memref<100000x128xf32, #tpu.memory_space<hbm>>
    %dma_start3A_119 = tpu.memref_slice %arg26[%dma_start3A_110] : memref<2x!tpu.dma_semaphore, #tpu.memory_space<semaphore_mem>> -> memref<1x!tpu.dma_semaphore, #tpu.memory_space<semaphore_mem>>
    %dma_start3A_120 = tpu.memref_squeeze %dma_start3A_119 : memref<1x!tpu.dma_semaphore, #tpu.memory_space<semaphore_mem>> -> memref<!tpu.dma_semaphore, #tpu.memory_space<semaphore_mem>>
    tpu.enqueue_indirect_dma source(%dma_start3A_118 : memref<100000x128xf32, #tpu.memory_space<hbm>>) target(%dma_start3A_113 : memref<64x128xf32, #tpu.memory_space<vmem>>) offsets(%dma_start3A_115 : memref<64xi32, #tpu.memory_space<vmem>>) semaphore(%dma_start3A_120 : memref<!tpu.dma_semaphore, #tpu.memory_space<semaphore_mem>>)
    %dma_start3A_121 = arith.constant 1 : i32
    %dma_start3A_122 = arith.constant 64 : i32
    %dma_start3A_123 = arith.constant 0 : i32
    %dma_start3A_124 = tpu.memref_slice %arg16[%dma_start3A_122, %dma_start3A_123] : memref<128x128xf32, #tpu.memory_space<vmem>> -> memref<64x128xf32, #tpu.memory_space<vmem>>
    %dma_start3A_125 = arith.constant 64 : i32
    %dma_start3A_126 = tpu.memref_slice %arg14[%dma_start3A_125] : memref<128xi32, #tpu.memory_space<vmem>> -> memref<64xi32, #tpu.memory_space<vmem>>
    %dma_start3A_127 = arith.constant 0 : i32
    %dma_start3A_128 = arith.constant 0 : i32
    %dma_start3A_129 = tpu.memref_slice %arg7[%dma_start3A_127, %dma_start3A_128] : memref<100000x128xf32, #tpu.memory_space<hbm>> -> memref<100000x128xf32, #tpu.memory_space<hbm>>
    %dma_start3A_130 = tpu.memref_slice %arg26[%dma_start3A_121] : memref<2x!tpu.dma_semaphore, #tpu.memory_space<semaphore_mem>> -> memref<1x!tpu.dma_semaphore, #tpu.memory_space<semaphore_mem>>
    %dma_start3A_131 = tpu.memref_squeeze %dma_start3A_130 : memref<1x!tpu.dma_semaphore, #tpu.memory_space<semaphore_mem>> -> memref<!tpu.dma_semaphore, #tpu.memory_space<semaphore_mem>>
    tpu.enqueue_indirect_dma source(%dma_start3A_129 : memref<100000x128xf32, #tpu.memory_space<hbm>>) target(%dma_start3A_124 : memref<64x128xf32, #tpu.memory_space<vmem>>) offsets(%dma_start3A_126 : memref<64xi32, #tpu.memory_space<vmem>>) semaphore(%dma_start3A_131 : memref<!tpu.dma_semaphore, #tpu.memory_space<semaphore_mem>>)
    %dma_start3A_132 = arith.constant 1 : i32
    %dma_start3A_133 = arith.constant 64 : i32
    %dma_start3A_134 = arith.constant 0 : i32
    %dma_start3A_135 = tpu.memref_slice %arg17[%dma_start3A_133, %dma_start3A_134] : memref<128x128xf32, #tpu.memory_space<vmem>> -> memref<64x128xf32, #tpu.memory_space<vmem>>
    %dma_start3A_136 = arith.constant 64 : i32
    %dma_start3A_137 = tpu.memref_slice %arg13[%dma_start3A_136] : memref<128xi32, #tpu.memory_space<vmem>> -> memref<64xi32, #tpu.memory_space<vmem>>
    %dma_start3A_138 = arith.constant 0 : i32
    %dma_start3A_139 = arith.constant 0 : i32
    %dma_start3A_140 = tpu.memref_slice %arg10[%dma_start3A_138, %dma_start3A_139] : memref<100000x128xf32, #tpu.memory_space<hbm>> -> memref<100000x128xf32, #tpu.memory_space<hbm>>
    %dma_start3A_141 = tpu.memref_slice %arg26[%dma_start3A_132] : memref<2x!tpu.dma_semaphore, #tpu.memory_space<semaphore_mem>> -> memref<1x!tpu.dma_semaphore, #tpu.memory_space<semaphore_mem>>
    %dma_start3A_142 = tpu.memref_squeeze %dma_start3A_141 : memref<1x!tpu.dma_semaphore, #tpu.memory_space<semaphore_mem>> -> memref<!tpu.dma_semaphore, #tpu.memory_space<semaphore_mem>>
    tpu.enqueue_indirect_dma source(%dma_start3A_140 : memref<100000x128xf32, #tpu.memory_space<hbm>>) target(%dma_start3A_135 : memref<64x128xf32, #tpu.memory_space<vmem>>) offsets(%dma_start3A_137 : memref<64xi32, #tpu.memory_space<vmem>>) semaphore(%dma_start3A_142 : memref<!tpu.dma_semaphore, #tpu.memory_space<semaphore_mem>>)
    %dma_start3A_143 = arith.constant 1 : i32
    %dma_start3A_144 = arith.constant 64 : i32
    %dma_start3A_145 = arith.constant 0 : i32
    %dma_start3A_146 = tpu.memref_slice %arg18[%dma_start3A_144, %dma_start3A_145] : memref<128x128xf32, #tpu.memory_space<vmem>> -> memref<64x128xf32, #tpu.memory_space<vmem>>
    %dma_start3A_147 = arith.constant 64 : i32
    %dma_start3A_148 = tpu.memref_slice %arg13[%dma_start3A_147] : memref<128xi32, #tpu.memory_space<vmem>> -> memref<64xi32, #tpu.memory_space<vmem>>
    %dma_start3A_149 = arith.constant 0 : i32
    %dma_start3A_150 = arith.constant 0 : i32
    %dma_start3A_151 = tpu.memref_slice %arg11[%dma_start3A_149, %dma_start3A_150] : memref<100000x128xf32, #tpu.memory_space<hbm>> -> memref<100000x128xf32, #tpu.memory_space<hbm>>
    %dma_start3A_152 = tpu.memref_slice %arg26[%dma_start3A_143] : memref<2x!tpu.dma_semaphore, #tpu.memory_space<semaphore_mem>> -> memref<1x!tpu.dma_semaphore, #tpu.memory_space<semaphore_mem>>
    %dma_start3A_153 = tpu.memref_squeeze %dma_start3A_152 : memref<1x!tpu.dma_semaphore, #tpu.memory_space<semaphore_mem>> -> memref<!tpu.dma_semaphore, #tpu.memory_space<semaphore_mem>>
    tpu.enqueue_indirect_dma source(%dma_start3A_151 : memref<100000x128xf32, #tpu.memory_space<hbm>>) target(%dma_start3A_146 : memref<64x128xf32, #tpu.memory_space<vmem>>) offsets(%dma_start3A_148 : memref<64xi32, #tpu.memory_space<vmem>>) semaphore(%dma_start3A_153 : memref<!tpu.dma_semaphore, #tpu.memory_space<semaphore_mem>>)
    %dma_wait3A_154 = arith.constant 0 : i32
    %dma_wait3A_155 = tpu.memref_slice %arg4[%mul3A_2, %dma_wait3A_154] : memref<4096x128xf32, #tpu.memory_space<hbm>> -> memref<128x128xf32, #tpu.memory_space<hbm>>
    %dma_wait3A_156 = arith.constant 0 : i32
    %dma_wait3A_157 = tpu.memref_slice %arg4[%mul3A_2, %dma_wait3A_156] : memref<4096x128xf32, #tpu.memory_space<hbm>> -> memref<128x128xf32, #tpu.memory_space<hbm>>
    tpu.wait_dma2 semaphore(%arg28 : memref<!tpu.dma_semaphore, #tpu.memory_space<semaphore_mem>>) src(%dma_wait3A_157 : memref<128x128xf32, #tpu.memory_space<hbm>>) dst(%arg19 : memref<128x128xf32, #tpu.memory_space<vmem>>)
    %dma_wait3A_158 = arith.constant 0 : i32
    %dma_wait3A_159 = tpu.memref_slice %arg5[%mul3A_2, %dma_wait3A_158] : memref<4096x128xf32, #tpu.memory_space<hbm>> -> memref<128x128xf32, #tpu.memory_space<hbm>>
    %dma_wait3A_160 = arith.constant 0 : i32
    %dma_wait3A_161 = tpu.memref_slice %arg5[%mul3A_2, %dma_wait3A_160] : memref<4096x128xf32, #tpu.memory_space<hbm>> -> memref<128x128xf32, #tpu.memory_space<hbm>>
    tpu.wait_dma2 semaphore(%arg28 : memref<!tpu.dma_semaphore, #tpu.memory_space<semaphore_mem>>) src(%dma_wait3A_161 : memref<128x128xf32, #tpu.memory_space<hbm>>) dst(%arg20 : memref<128x128xf32, #tpu.memory_space<vmem>>)
    %parallel_loop3A = arith.constant 0 : i32
    %parallel_loop3A_162 = arith.constant 64 : i32
    %parallel_loop3A_163 = arith.constant 1 : i32
    scf.for %parallel_loop3A_302 = %parallel_loop3A to %parallel_loop3A_162 step %parallel_loop3A_163  : i32 {
      %parallel_loop3A_303 = arith.index_cast %parallel_loop3A_302 : i32 to index
      %parallel_loop3A_304 = arith.constant 0 : index
      %parallel_loop3A_305 = tpu.vector_load %arg15[%parallel_loop3A_303, %parallel_loop3A_304] {strides = array<i32>} : memref<128x128xf32, #tpu.memory_space<vmem>>, vector<16xf32>,
      %parallel_loop3A_306 = arith.index_cast %parallel_loop3A_302 : i32 to index
      %parallel_loop3A_307 = arith.constant 0 : index
      %parallel_loop3A_308 = tpu.vector_load %arg16[%parallel_loop3A_306, %parallel_loop3A_307] {strides = array<i32>} : memref<128x128xf32, #tpu.memory_space<vmem>>, vector<16xf32>,
      %parallel_loop3A_309 = arith.mulf %parallel_loop3A_305, %parallel_loop3A_308 : vector<16xf32>
      %parallel_loop3A_310 = arith.index_cast %parallel_loop3A_302 : i32 to index
      %parallel_loop3A_311 = arith.constant 0 : index
      %parallel_loop3A_312 = tpu.vector_load %arg17[%parallel_loop3A_310, %parallel_loop3A_311] {strides = array<i32>} : memref<128x128xf32, #tpu.memory_space<vmem>>, vector<16xf32>,
      %parallel_loop3A_313 = arith.index_cast %parallel_loop3A_302 : i32 to index
      %parallel_loop3A_314 = arith.constant 0 : index
      %parallel_loop3A_315 = tpu.vector_load %arg19[%parallel_loop3A_313, %parallel_loop3A_314] {strides = array<i32>} : memref<128x128xf32, #tpu.memory_space<vmem>>, vector<16xf32>,
      %parallel_loop3A_316 = arith.mulf %parallel_loop3A_312, %parallel_loop3A_315 : vector<16xf32>
      %parallel_loop3A_317 = arith.addf %parallel_loop3A_309, %parallel_loop3A_316 : vector<16xf32>
      %parallel_loop3A_318 = arith.index_cast %parallel_loop3A_302 : i32 to index
      %parallel_loop3A_319 = arith.constant 0 : index
      %parallel_loop3A_320 = tpu.vector_load %arg18[%parallel_loop3A_318, %parallel_loop3A_319] {strides = array<i32>} : memref<128x128xf32, #tpu.memory_space<vmem>>, vector<16xf32>,
      %parallel_loop3A_321 = arith.index_cast %parallel_loop3A_302 : i32 to index
      %parallel_loop3A_322 = arith.constant 0 : index
      %parallel_loop3A_323 = tpu.vector_load %arg20[%parallel_loop3A_321, %parallel_loop3A_322] {strides = array<i32>} : memref<128x128xf32, #tpu.memory_space<vmem>>, vector<16xf32>,
      %parallel_loop3A_324 = arith.mulf %parallel_loop3A_320, %parallel_loop3A_323 : vector<16xf32>
      %parallel_loop3A_325 = arith.addf %parallel_loop3A_317, %parallel_loop3A_324 : vector<16xf32>
      %parallel_loop3A_326 = arith.index_cast %parallel_loop3A_302 : i32 to index
      %parallel_loop3A_327 = arith.constant 16 : index
      %parallel_loop3A_328 = tpu.vector_load %arg15[%parallel_loop3A_326, %parallel_loop3A_327] {strides = array<i32>} : memref<128x128xf32, #tpu.memory_space<vmem>>, vector<16xf32>,
      %parallel_loop3A_329 = arith.index_cast %parallel_loop3A_302 : i32 to index
      %parallel_loop3A_330 = arith.constant 16 : index
      %parallel_loop3A_331 = tpu.vector_load %arg16[%parallel_loop3A_329, %parallel_loop3A_330] {strides = array<i32>} : memref<128x128xf32, #tpu.memory_space<vmem>>, vector<16xf32>,
      %parallel_loop3A_332 = arith.mulf %parallel_loop3A_328, %parallel_loop3A_331 : vector<16xf32>
      %parallel_loop3A_333 = arith.addf %parallel_loop3A_325, %parallel_loop3A_332 : vector<16xf32>
      %parallel_loop3A_334 = arith.index_cast %parallel_loop3A_302 : i32 to index
      %parallel_loop3A_335 = arith.constant 16 : index
      %parallel_loop3A_336 = tpu.vector_load %arg17[%parallel_loop3A_334, %parallel_loop3A_335] {strides = array<i32>} : memref<128x128xf32, #tpu.memory_space<vmem>>, vector<16xf32>,
      %parallel_loop3A_337 = arith.index_cast %parallel_loop3A_302 : i32 to index
      %parallel_loop3A_338 = arith.constant 16 : index
      %parallel_loop3A_339 = tpu.vector_load %arg19[%parallel_loop3A_337, %parallel_loop3A_338] {strides = array<i32>} : memref<128x128xf32, #tpu.memory_space<vmem>>, vector<16xf32>,
      %parallel_loop3A_340 = arith.mulf %parallel_loop3A_336, %parallel_loop3A_339 : vector<16xf32>
      %parallel_loop3A_341 = arith.addf %parallel_loop3A_333, %parallel_loop3A_340 : vector<16xf32>
      %parallel_loop3A_342 = arith.index_cast %parallel_loop3A_302 : i32 to index
      %parallel_loop3A_343 = arith.constant 16 : index
      %parallel_loop3A_344 = tpu.vector_load %arg18[%parallel_loop3A_342, %parallel_loop3A_343] {strides = array<i32>} : memref<128x128xf32, #tpu.memory_space<vmem>>, vector<16xf32>,
      %parallel_loop3A_345 = arith.index_cast %parallel_loop3A_302 : i32 to index
      %parallel_loop3A_346 = arith.constant 16 : index
      %parallel_loop3A_347 = tpu.vector_load %arg20[%parallel_loop3A_345, %parallel_loop3A_346] {strides = array<i32>} : memref<128x128xf32, #tpu.memory_space<vmem>>, vector<16xf32>,
      %parallel_loop3A_348 = arith.mulf %parallel_loop3A_344, %parallel_loop3A_347 : vector<16xf32>
      %parallel_loop3A_349 = arith.addf %parallel_loop3A_341, %parallel_loop3A_348 : vector<16xf32>
      %parallel_loop3A_350 = arith.index_cast %parallel_loop3A_302 : i32 to index
      %parallel_loop3A_351 = arith.constant 32 : index
      %parallel_loop3A_352 = tpu.vector_load %arg15[%parallel_loop3A_350, %parallel_loop3A_351] {strides = array<i32>} : memref<128x128xf32, #tpu.memory_space<vmem>>, vector<16xf32>,
      %parallel_loop3A_353 = arith.index_cast %parallel_loop3A_302 : i32 to index
      %parallel_loop3A_354 = arith.constant 32 : index
      %parallel_loop3A_355 = tpu.vector_load %arg16[%parallel_loop3A_353, %parallel_loop3A_354] {strides = array<i32>} : memref<128x128xf32, #tpu.memory_space<vmem>>, vector<16xf32>,
      %parallel_loop3A_356 = arith.mulf %parallel_loop3A_352, %parallel_loop3A_355 : vector<16xf32>
      %parallel_loop3A_357 = arith.addf %parallel_loop3A_349, %parallel_loop3A_356 : vector<16xf32>
      %parallel_loop3A_358 = arith.index_cast %parallel_loop3A_302 : i32 to index
      %parallel_loop3A_359 = arith.constant 32 : index
      %parallel_loop3A_360 = tpu.vector_load %arg17[%parallel_loop3A_358, %parallel_loop3A_359] {strides = array<i32>} : memref<128x128xf32, #tpu.memory_space<vmem>>, vector<16xf32>,
      %parallel_loop3A_361 = arith.index_cast %parallel_loop3A_302 : i32 to index
      %parallel_loop3A_362 = arith.constant 32 : index
      %parallel_loop3A_363 = tpu.vector_load %arg19[%parallel_loop3A_361, %parallel_loop3A_362] {strides = array<i32>} : memref<128x128xf32, #tpu.memory_space<vmem>>, vector<16xf32>,
      %parallel_loop3A_364 = arith.mulf %parallel_loop3A_360, %parallel_loop3A_363 : vector<16xf32>
      %parallel_loop3A_365 = arith.addf %parallel_loop3A_357, %parallel_loop3A_364 : vector<16xf32>
      %parallel_loop3A_366 = arith.index_cast %parallel_loop3A_302 : i32 to index
      %parallel_loop3A_367 = arith.constant 32 : index
      %parallel_loop3A_368 = tpu.vector_load %arg18[%parallel_loop3A_366, %parallel_loop3A_367] {strides = array<i32>} : memref<128x128xf32, #tpu.memory_space<vmem>>, vector<16xf32>,
      %parallel_loop3A_369 = arith.index_cast %parallel_loop3A_302 : i32 to index
      %parallel_loop3A_370 = arith.constant 32 : index
      %parallel_loop3A_371 = tpu.vector_load %arg20[%parallel_loop3A_369, %parallel_loop3A_370] {strides = array<i32>} : memref<128x128xf32, #tpu.memory_space<vmem>>, vector<16xf32>,
      %parallel_loop3A_372 = arith.mulf %parallel_loop3A_368, %parallel_loop3A_371 : vector<16xf32>
      %parallel_loop3A_373 = arith.addf %parallel_loop3A_365, %parallel_loop3A_372 : vector<16xf32>
      %parallel_loop3A_374 = arith.index_cast %parallel_loop3A_302 : i32 to index
      %parallel_loop3A_375 = arith.constant 48 : index
      %parallel_loop3A_376 = tpu.vector_load %arg15[%parallel_loop3A_374, %parallel_loop3A_375] {strides = array<i32>} : memref<128x128xf32, #tpu.memory_space<vmem>>, vector<16xf32>,
      %parallel_loop3A_377 = arith.index_cast %parallel_loop3A_302 : i32 to index
      %parallel_loop3A_378 = arith.constant 48 : index
      %parallel_loop3A_379 = tpu.vector_load %arg16[%parallel_loop3A_377, %parallel_loop3A_378] {strides = array<i32>} : memref<128x128xf32, #tpu.memory_space<vmem>>, vector<16xf32>,
      %parallel_loop3A_380 = arith.mulf %parallel_loop3A_376, %parallel_loop3A_379 : vector<16xf32>
      %parallel_loop3A_381 = arith.addf %parallel_loop3A_373, %parallel_loop3A_380 : vector<16xf32>
      %parallel_loop3A_382 = arith.index_cast %parallel_loop3A_302 : i32 to index
      %parallel_loop3A_383 = arith.constant 48 : index
      %parallel_loop3A_384 = tpu.vector_load %arg17[%parallel_loop3A_382, %parallel_loop3A_383] {strides = array<i32>} : memref<128x128xf32, #tpu.memory_space<vmem>>, vector<16xf32>,
      %parallel_loop3A_385 = arith.index_cast %parallel_loop3A_302 : i32 to index
      %parallel_loop3A_386 = arith.constant 48 : index
      %parallel_loop3A_387 = tpu.vector_load %arg19[%parallel_loop3A_385, %parallel_loop3A_386] {strides = array<i32>} : memref<128x128xf32, #tpu.memory_space<vmem>>, vector<16xf32>,
      %parallel_loop3A_388 = arith.mulf %parallel_loop3A_384, %parallel_loop3A_387 : vector<16xf32>
      %parallel_loop3A_389 = arith.addf %parallel_loop3A_381, %parallel_loop3A_388 : vector<16xf32>
      %parallel_loop3A_390 = arith.index_cast %parallel_loop3A_302 : i32 to index
      %parallel_loop3A_391 = arith.constant 48 : index
      %parallel_loop3A_392 = tpu.vector_load %arg18[%parallel_loop3A_390, %parallel_loop3A_391] {strides = array<i32>} : memref<128x128xf32, #tpu.memory_space<vmem>>, vector<16xf32>,
      %parallel_loop3A_393 = arith.index_cast %parallel_loop3A_302 : i32 to index
      %parallel_loop3A_394 = arith.constant 48 : index
      %parallel_loop3A_395 = tpu.vector_load %arg20[%parallel_loop3A_393, %parallel_loop3A_394] {strides = array<i32>} : memref<128x128xf32, #tpu.memory_space<vmem>>, vector<16xf32>,
      %parallel_loop3A_396 = arith.mulf %parallel_loop3A_392, %parallel_loop3A_395 : vector<16xf32>
      %parallel_loop3A_397 = arith.addf %parallel_loop3A_389, %parallel_loop3A_396 : vector<16xf32>
      %parallel_loop3A_398 = arith.index_cast %parallel_loop3A_302 : i32 to index
      %parallel_loop3A_399 = arith.constant 64 : index
      %parallel_loop3A_400 = tpu.vector_load %arg15[%parallel_loop3A_398, %parallel_loop3A_399] {strides = array<i32>} : memref<128x128xf32, #tpu.memory_space<vmem>>, vector<16xf32>,
      %parallel_loop3A_401 = arith.index_cast %parallel_loop3A_302 : i32 to index
      %parallel_loop3A_402 = arith.constant 64 : index
      %parallel_loop3A_403 = tpu.vector_load %arg16[%parallel_loop3A_401, %parallel_loop3A_402] {strides = array<i32>} : memref<128x128xf32, #tpu.memory_space<vmem>>, vector<16xf32>,
      %parallel_loop3A_404 = arith.mulf %parallel_loop3A_400, %parallel_loop3A_403 : vector<16xf32>
      %parallel_loop3A_405 = arith.addf %parallel_loop3A_397, %parallel_loop3A_404 : vector<16xf32>
      %parallel_loop3A_406 = arith.index_cast %parallel_loop3A_302 : i32 to index
      %parallel_loop3A_407 = arith.constant 64 : index
      %parallel_loop3A_408 = tpu.vector_load %arg17[%parallel_loop3A_406, %parallel_loop3A_407] {strides = array<i32>} : memref<128x128xf32, #tpu.memory_space<vmem>>, vector<16xf32>,
      %parallel_loop3A_409 = arith.index_cast %parallel_loop3A_302 : i32 to index
      %parallel_loop3A_410 = arith.constant 64 : index
      %parallel_loop3A_411 = tpu.vector_load %arg19[%parallel_loop3A_409, %parallel_loop3A_410] {strides = array<i32>} : memref<128x128xf32, #tpu.memory_space<vmem>>, vector<16xf32>,
      %parallel_loop3A_412 = arith.mulf %parallel_loop3A_408, %parallel_loop3A_411 : vector<16xf32>
      %parallel_loop3A_413 = arith.addf %parallel_loop3A_405, %parallel_loop3A_412 : vector<16xf32>
      %parallel_loop3A_414 = arith.index_cast %parallel_loop3A_302 : i32 to index
      %parallel_loop3A_415 = arith.constant 64 : index
      %parallel_loop3A_416 = tpu.vector_load %arg18[%parallel_loop3A_414, %parallel_loop3A_415] {strides = array<i32>} : memref<128x128xf32, #tpu.memory_space<vmem>>, vector<16xf32>,
      %parallel_loop3A_417 = arith.index_cast %parallel_loop3A_302 : i32 to index
      %parallel_loop3A_418 = arith.constant 64 : index
      %parallel_loop3A_419 = tpu.vector_load %arg20[%parallel_loop3A_417, %parallel_loop3A_418] {strides = array<i32>} : memref<128x128xf32, #tpu.memory_space<vmem>>, vector<16xf32>,
      %parallel_loop3A_420 = arith.mulf %parallel_loop3A_416, %parallel_loop3A_419 : vector<16xf32>
      %parallel_loop3A_421 = arith.addf %parallel_loop3A_413, %parallel_loop3A_420 : vector<16xf32>
      %parallel_loop3A_422 = arith.index_cast %parallel_loop3A_302 : i32 to index
      %parallel_loop3A_423 = arith.constant 80 : index
      %parallel_loop3A_424 = tpu.vector_load %arg15[%parallel_loop3A_422, %parallel_loop3A_423] {strides = array<i32>} : memref<128x128xf32, #tpu.memory_space<vmem>>, vector<16xf32>,
      %parallel_loop3A_425 = arith.index_cast %parallel_loop3A_302 : i32 to index
      %parallel_loop3A_426 = arith.constant 80 : index
      %parallel_loop3A_427 = tpu.vector_load %arg16[%parallel_loop3A_425, %parallel_loop3A_426] {strides = array<i32>} : memref<128x128xf32, #tpu.memory_space<vmem>>, vector<16xf32>,
      %parallel_loop3A_428 = arith.mulf %parallel_loop3A_424, %parallel_loop3A_427 : vector<16xf32>
      %parallel_loop3A_429 = arith.addf %parallel_loop3A_421, %parallel_loop3A_428 : vector<16xf32>
      %parallel_loop3A_430 = arith.index_cast %parallel_loop3A_302 : i32 to index
      %parallel_loop3A_431 = arith.constant 80 : index
      %parallel_loop3A_432 = tpu.vector_load %arg17[%parallel_loop3A_430, %parallel_loop3A_431] {strides = array<i32>} : memref<128x128xf32, #tpu.memory_space<vmem>>, vector<16xf32>,
      %parallel_loop3A_433 = arith.index_cast %parallel_loop3A_302 : i32 to index
      %parallel_loop3A_434 = arith.constant 80 : index
      %parallel_loop3A_435 = tpu.vector_load %arg19[%parallel_loop3A_433, %parallel_loop3A_434] {strides = array<i32>} : memref<128x128xf32, #tpu.memory_space<vmem>>, vector<16xf32>,
      %parallel_loop3A_436 = arith.mulf %parallel_loop3A_432, %parallel_loop3A_435 : vector<16xf32>
      %parallel_loop3A_437 = arith.addf %parallel_loop3A_429, %parallel_loop3A_436 : vector<16xf32>
      %parallel_loop3A_438 = arith.index_cast %parallel_loop3A_302 : i32 to index
      %parallel_loop3A_439 = arith.constant 80 : index
      %parallel_loop3A_440 = tpu.vector_load %arg18[%parallel_loop3A_438, %parallel_loop3A_439] {strides = array<i32>} : memref<128x128xf32, #tpu.memory_space<vmem>>, vector<16xf32>,
      %parallel_loop3A_441 = arith.index_cast %parallel_loop3A_302 : i32 to index
      %parallel_loop3A_442 = arith.constant 80 : index
      %parallel_loop3A_443 = tpu.vector_load %arg20[%parallel_loop3A_441, %parallel_loop3A_442] {strides = array<i32>} : memref<128x128xf32, #tpu.memory_space<vmem>>, vector<16xf32>,
      %parallel_loop3A_444 = arith.mulf %parallel_loop3A_440, %parallel_loop3A_443 : vector<16xf32>
      %parallel_loop3A_445 = arith.addf %parallel_loop3A_437, %parallel_loop3A_444 : vector<16xf32>
      %parallel_loop3A_446 = arith.index_cast %parallel_loop3A_302 : i32 to index
      %parallel_loop3A_447 = arith.constant 96 : index
      %parallel_loop3A_448 = tpu.vector_load %arg15[%parallel_loop3A_446, %parallel_loop3A_447] {strides = array<i32>} : memref<128x128xf32, #tpu.memory_space<vmem>>, vector<16xf32>,
      %parallel_loop3A_449 = arith.index_cast %parallel_loop3A_302 : i32 to index
      %parallel_loop3A_450 = arith.constant 96 : index
      %parallel_loop3A_451 = tpu.vector_load %arg16[%parallel_loop3A_449, %parallel_loop3A_450] {strides = array<i32>} : memref<128x128xf32, #tpu.memory_space<vmem>>, vector<16xf32>,
      %parallel_loop3A_452 = arith.mulf %parallel_loop3A_448, %parallel_loop3A_451 : vector<16xf32>
      %parallel_loop3A_453 = arith.addf %parallel_loop3A_445, %parallel_loop3A_452 : vector<16xf32>
      %parallel_loop3A_454 = arith.index_cast %parallel_loop3A_302 : i32 to index
      %parallel_loop3A_455 = arith.constant 96 : index
      %parallel_loop3A_456 = tpu.vector_load %arg17[%parallel_loop3A_454, %parallel_loop3A_455] {strides = array<i32>} : memref<128x128xf32, #tpu.memory_space<vmem>>, vector<16xf32>,
      %parallel_loop3A_457 = arith.index_cast %parallel_loop3A_302 : i32 to index
      %parallel_loop3A_458 = arith.constant 96 : index
      %parallel_loop3A_459 = tpu.vector_load %arg19[%parallel_loop3A_457, %parallel_loop3A_458] {strides = array<i32>} : memref<128x128xf32, #tpu.memory_space<vmem>>, vector<16xf32>,
      %parallel_loop3A_460 = arith.mulf %parallel_loop3A_456, %parallel_loop3A_459 : vector<16xf32>
      %parallel_loop3A_461 = arith.addf %parallel_loop3A_453, %parallel_loop3A_460 : vector<16xf32>
      %parallel_loop3A_462 = arith.index_cast %parallel_loop3A_302 : i32 to index
      %parallel_loop3A_463 = arith.constant 96 : index
      %parallel_loop3A_464 = tpu.vector_load %arg18[%parallel_loop3A_462, %parallel_loop3A_463] {strides = array<i32>} : memref<128x128xf32, #tpu.memory_space<vmem>>, vector<16xf32>,
      %parallel_loop3A_465 = arith.index_cast %parallel_loop3A_302 : i32 to index
      %parallel_loop3A_466 = arith.constant 96 : index
      %parallel_loop3A_467 = tpu.vector_load %arg20[%parallel_loop3A_465, %parallel_loop3A_466] {strides = array<i32>} : memref<128x128xf32, #tpu.memory_space<vmem>>, vector<16xf32>,
      %parallel_loop3A_468 = arith.mulf %parallel_loop3A_464, %parallel_loop3A_467 : vector<16xf32>
      %parallel_loop3A_469 = arith.addf %parallel_loop3A_461, %parallel_loop3A_468 : vector<16xf32>
      %parallel_loop3A_470 = arith.index_cast %parallel_loop3A_302 : i32 to index
      %parallel_loop3A_471 = arith.constant 112 : index
      %parallel_loop3A_472 = tpu.vector_load %arg15[%parallel_loop3A_470, %parallel_loop3A_471] {strides = array<i32>} : memref<128x128xf32, #tpu.memory_space<vmem>>, vector<16xf32>,
      %parallel_loop3A_473 = arith.index_cast %parallel_loop3A_302 : i32 to index
      %parallel_loop3A_474 = arith.constant 112 : index
      %parallel_loop3A_475 = tpu.vector_load %arg16[%parallel_loop3A_473, %parallel_loop3A_474] {strides = array<i32>} : memref<128x128xf32, #tpu.memory_space<vmem>>, vector<16xf32>,
      %parallel_loop3A_476 = arith.mulf %parallel_loop3A_472, %parallel_loop3A_475 : vector<16xf32>
      %parallel_loop3A_477 = arith.addf %parallel_loop3A_469, %parallel_loop3A_476 : vector<16xf32>
      %parallel_loop3A_478 = arith.index_cast %parallel_loop3A_302 : i32 to index
      %parallel_loop3A_479 = arith.constant 112 : index
      %parallel_loop3A_480 = tpu.vector_load %arg17[%parallel_loop3A_478, %parallel_loop3A_479] {strides = array<i32>} : memref<128x128xf32, #tpu.memory_space<vmem>>, vector<16xf32>,
      %parallel_loop3A_481 = arith.index_cast %parallel_loop3A_302 : i32 to index
      %parallel_loop3A_482 = arith.constant 112 : index
      %parallel_loop3A_483 = tpu.vector_load %arg19[%parallel_loop3A_481, %parallel_loop3A_482] {strides = array<i32>} : memref<128x128xf32, #tpu.memory_space<vmem>>, vector<16xf32>,
      %parallel_loop3A_484 = arith.mulf %parallel_loop3A_480, %parallel_loop3A_483 : vector<16xf32>
      %parallel_loop3A_485 = arith.addf %parallel_loop3A_477, %parallel_loop3A_484 : vector<16xf32>
      %parallel_loop3A_486 = arith.index_cast %parallel_loop3A_302 : i32 to index
      %parallel_loop3A_487 = arith.constant 112 : index
      %parallel_loop3A_488 = tpu.vector_load %arg18[%parallel_loop3A_486, %parallel_loop3A_487] {strides = array<i32>} : memref<128x128xf32, #tpu.memory_space<vmem>>, vector<16xf32>,
      %parallel_loop3A_489 = arith.index_cast %parallel_loop3A_302 : i32 to index
      %parallel_loop3A_490 = arith.constant 112 : index
      %parallel_loop3A_491 = tpu.vector_load %arg20[%parallel_loop3A_489, %parallel_loop3A_490] {strides = array<i32>} : memref<128x128xf32, #tpu.memory_space<vmem>>, vector<16xf32>,
      %parallel_loop3A_492 = arith.mulf %parallel_loop3A_488, %parallel_loop3A_491 : vector<16xf32>
      %parallel_loop3A_493 = arith.addf %parallel_loop3A_485, %parallel_loop3A_492 : vector<16xf32>
      %parallel_loop3A_494 = arith.constant true
      %parallel_loop3A_495 = vector.broadcast %parallel_loop3A_494 : i1 to vector<16xi1>
      %parallel_loop3A_496 = tpu.scan <sum>, %parallel_loop3A_493 masked %parallel_loop3A_495 : vector<16xf32>, vector<16xi1> -> vector<16xf32>
      %parallel_loop3A_497 = vector.broadcast %parallel_loop3A_302 : i32 to vector<16xi32>
      tpu.vector_store_idx %arg23[%parallel_loop3A_497], %parallel_loop3A_496 masked %eq3A_21 : memref<128xf32, #tpu.memory_space<vmem>>[vector<16xi32>], vector<16xf32>, vector<16xi1>
    } {sc.loop_unroll_factor = 2 : i64, sc.parallel_access}
    %dma_wait3A_164 = arith.constant 1 : i32
    %dma_wait3A_165 = arith.constant 64 : i32
    %dma_wait3A_166 = arith.constant 0 : i32
    %dma_wait3A_167 = tpu.memref_slice %arg15[%dma_wait3A_165, %dma_wait3A_166] : memref<128x128xf32, #tpu.memory_space<vmem>> -> memref<64x128xf32, #tpu.memory_space<vmem>>
    %dma_wait3A_168 = arith.constant 64 : i32
    %dma_wait3A_169 = tpu.memref_slice %arg13[%dma_wait3A_168] : memref<128xi32, #tpu.memory_space<vmem>> -> memref<64xi32, #tpu.memory_space<vmem>>
    %dma_wait3A_170 = arith.constant 0 : i32
    %dma_wait3A_171 = arith.constant 0 : i32
    %dma_wait3A_172 = tpu.memref_slice %arg6[%dma_wait3A_170, %dma_wait3A_171] : memref<100000x128xf32, #tpu.memory_space<hbm>> -> memref<100000x128xf32, #tpu.memory_space<hbm>>
    %dma_wait3A_173 = tpu.memref_slice %arg26[%dma_wait3A_164] : memref<2x!tpu.dma_semaphore, #tpu.memory_space<semaphore_mem>> -> memref<1x!tpu.dma_semaphore, #tpu.memory_space<semaphore_mem>>
    %dma_wait3A_174 = tpu.memref_squeeze %dma_wait3A_173 : memref<1x!tpu.dma_semaphore, #tpu.memory_space<semaphore_mem>> -> memref<!tpu.dma_semaphore, #tpu.memory_space<semaphore_mem>>
    tpu.wait_indirect_dma semaphore(%dma_wait3A_174 : memref<!tpu.dma_semaphore, #tpu.memory_space<semaphore_mem>>) src(%dma_wait3A_172 : memref<100000x128xf32, #tpu.memory_space<hbm>>) dst(%dma_wait3A_167 : memref<64x128xf32, #tpu.memory_space<vmem>>)
    %dma_wait3A_175 = arith.constant 1 : i32
    %dma_wait3A_176 = arith.constant 64 : i32
    %dma_wait3A_177 = arith.constant 0 : i32
    %dma_wait3A_178 = tpu.memref_slice %arg16[%dma_wait3A_176, %dma_wait3A_177] : memref<128x128xf32, #tpu.memory_space<vmem>> -> memref<64x128xf32, #tpu.memory_space<vmem>>
    %dma_wait3A_179 = arith.constant 64 : i32
    %dma_wait3A_180 = tpu.memref_slice %arg14[%dma_wait3A_179] : memref<128xi32, #tpu.memory_space<vmem>> -> memref<64xi32, #tpu.memory_space<vmem>>
    %dma_wait3A_181 = arith.constant 0 : i32
    %dma_wait3A_182 = arith.constant 0 : i32
    %dma_wait3A_183 = tpu.memref_slice %arg7[%dma_wait3A_181, %dma_wait3A_182] : memref<100000x128xf32, #tpu.memory_space<hbm>> -> memref<100000x128xf32, #tpu.memory_space<hbm>>
    %dma_wait3A_184 = tpu.memref_slice %arg26[%dma_wait3A_175] : memref<2x!tpu.dma_semaphore, #tpu.memory_space<semaphore_mem>> -> memref<1x!tpu.dma_semaphore, #tpu.memory_space<semaphore_mem>>
    %dma_wait3A_185 = tpu.memref_squeeze %dma_wait3A_184 : memref<1x!tpu.dma_semaphore, #tpu.memory_space<semaphore_mem>> -> memref<!tpu.dma_semaphore, #tpu.memory_space<semaphore_mem>>
    tpu.wait_indirect_dma semaphore(%dma_wait3A_185 : memref<!tpu.dma_semaphore, #tpu.memory_space<semaphore_mem>>) src(%dma_wait3A_183 : memref<100000x128xf32, #tpu.memory_space<hbm>>) dst(%dma_wait3A_178 : memref<64x128xf32, #tpu.memory_space<vmem>>)
    %dma_wait3A_186 = arith.constant 1 : i32
    %dma_wait3A_187 = arith.constant 64 : i32
    %dma_wait3A_188 = arith.constant 0 : i32
    %dma_wait3A_189 = tpu.memref_slice %arg17[%dma_wait3A_187, %dma_wait3A_188] : memref<128x128xf32, #tpu.memory_space<vmem>> -> memref<64x128xf32, #tpu.memory_space<vmem>>
    %dma_wait3A_190 = arith.constant 64 : i32
    %dma_wait3A_191 = tpu.memref_slice %arg13[%dma_wait3A_190] : memref<128xi32, #tpu.memory_space<vmem>> -> memref<64xi32, #tpu.memory_space<vmem>>
    %dma_wait3A_192 = arith.constant 0 : i32
    %dma_wait3A_193 = arith.constant 0 : i32
    %dma_wait3A_194 = tpu.memref_slice %arg10[%dma_wait3A_192, %dma_wait3A_193] : memref<100000x128xf32, #tpu.memory_space<hbm>> -> memref<100000x128xf32, #tpu.memory_space<hbm>>
    %dma_wait3A_195 = tpu.memref_slice %arg26[%dma_wait3A_186] : memref<2x!tpu.dma_semaphore, #tpu.memory_space<semaphore_mem>> -> memref<1x!tpu.dma_semaphore, #tpu.memory_space<semaphore_mem>>
    %dma_wait3A_196 = tpu.memref_squeeze %dma_wait3A_195 : memref<1x!tpu.dma_semaphore, #tpu.memory_space<semaphore_mem>> -> memref<!tpu.dma_semaphore, #tpu.memory_space<semaphore_mem>>
    tpu.wait_indirect_dma semaphore(%dma_wait3A_196 : memref<!tpu.dma_semaphore, #tpu.memory_space<semaphore_mem>>) src(%dma_wait3A_194 : memref<100000x128xf32, #tpu.memory_space<hbm>>) dst(%dma_wait3A_189 : memref<64x128xf32, #tpu.memory_space<vmem>>)
    %dma_wait3A_197 = arith.constant 1 : i32
    %dma_wait3A_198 = arith.constant 64 : i32
    %dma_wait3A_199 = arith.constant 0 : i32
    %dma_wait3A_200 = tpu.memref_slice %arg18[%dma_wait3A_198, %dma_wait3A_199] : memref<128x128xf32, #tpu.memory_space<vmem>> -> memref<64x128xf32, #tpu.memory_space<vmem>>
    %dma_wait3A_201 = arith.constant 64 : i32
    %dma_wait3A_202 = tpu.memref_slice %arg13[%dma_wait3A_201] : memref<128xi32, #tpu.memory_space<vmem>> -> memref<64xi32, #tpu.memory_space<vmem>>
    %dma_wait3A_203 = arith.constant 0 : i32
    %dma_wait3A_204 = arith.constant 0 : i32
    %dma_wait3A_205 = tpu.memref_slice %arg11[%dma_wait3A_203, %dma_wait3A_204] : memref<100000x128xf32, #tpu.memory_space<hbm>> -> memref<100000x128xf32, #tpu.memory_space<hbm>>
    %dma_wait3A_206 = tpu.memref_slice %arg26[%dma_wait3A_197] : memref<2x!tpu.dma_semaphore, #tpu.memory_space<semaphore_mem>> -> memref<1x!tpu.dma_semaphore, #tpu.memory_space<semaphore_mem>>
    %dma_wait3A_207 = tpu.memref_squeeze %dma_wait3A_206 : memref<1x!tpu.dma_semaphore, #tpu.memory_space<semaphore_mem>> -> memref<!tpu.dma_semaphore, #tpu.memory_space<semaphore_mem>>
    tpu.wait_indirect_dma semaphore(%dma_wait3A_207 : memref<!tpu.dma_semaphore, #tpu.memory_space<semaphore_mem>>) src(%dma_wait3A_205 : memref<100000x128xf32, #tpu.memory_space<hbm>>) dst(%dma_wait3A_200 : memref<64x128xf32, #tpu.memory_space<vmem>>)
    %parallel_loop3A_208 = arith.constant 64 : i32
    %parallel_loop3A_209 = arith.constant 128 : i32
    %parallel_loop3A_210 = arith.constant 1 : i32
    scf.for %parallel_loop3A_302 = %parallel_loop3A_208 to %parallel_loop3A_209 step %parallel_loop3A_210  : i32 {
      %parallel_loop3A_303 = arith.index_cast %parallel_loop3A_302 : i32 to index
      %parallel_loop3A_304 = arith.constant 0 : index
      %parallel_loop3A_305 = tpu.vector_load %arg15[%parallel_loop3A_303, %parallel_loop3A_304] {strides = array<i32>} : memref<128x128xf32, #tpu.memory_space<vmem>>, vector<16xf32>,
      %parallel_loop3A_306 = arith.index_cast %parallel_loop3A_302 : i32 to index
      %parallel_loop3A_307 = arith.constant 0 : index
      %parallel_loop3A_308 = tpu.vector_load %arg16[%parallel_loop3A_306, %parallel_loop3A_307] {strides = array<i32>} : memref<128x128xf32, #tpu.memory_space<vmem>>, vector<16xf32>,
      %parallel_loop3A_309 = arith.mulf %parallel_loop3A_305, %parallel_loop3A_308 : vector<16xf32>
      %parallel_loop3A_310 = arith.index_cast %parallel_loop3A_302 : i32 to index
      %parallel_loop3A_311 = arith.constant 0 : index
      %parallel_loop3A_312 = tpu.vector_load %arg17[%parallel_loop3A_310, %parallel_loop3A_311] {strides = array<i32>} : memref<128x128xf32, #tpu.memory_space<vmem>>, vector<16xf32>,
      %parallel_loop3A_313 = arith.index_cast %parallel_loop3A_302 : i32 to index
      %parallel_loop3A_314 = arith.constant 0 : index
      %parallel_loop3A_315 = tpu.vector_load %arg19[%parallel_loop3A_313, %parallel_loop3A_314] {strides = array<i32>} : memref<128x128xf32, #tpu.memory_space<vmem>>, vector<16xf32>,
      %parallel_loop3A_316 = arith.mulf %parallel_loop3A_312, %parallel_loop3A_315 : vector<16xf32>
      %parallel_loop3A_317 = arith.addf %parallel_loop3A_309, %parallel_loop3A_316 : vector<16xf32>
      %parallel_loop3A_318 = arith.index_cast %parallel_loop3A_302 : i32 to index
      %parallel_loop3A_319 = arith.constant 0 : index
      %parallel_loop3A_320 = tpu.vector_load %arg18[%parallel_loop3A_318, %parallel_loop3A_319] {strides = array<i32>} : memref<128x128xf32, #tpu.memory_space<vmem>>, vector<16xf32>,
      %parallel_loop3A_321 = arith.index_cast %parallel_loop3A_302 : i32 to index
      %parallel_loop3A_322 = arith.constant 0 : index
      %parallel_loop3A_323 = tpu.vector_load %arg20[%parallel_loop3A_321, %parallel_loop3A_322] {strides = array<i32>} : memref<128x128xf32, #tpu.memory_space<vmem>>, vector<16xf32>,
      %parallel_loop3A_324 = arith.mulf %parallel_loop3A_320, %parallel_loop3A_323 : vector<16xf32>
      %parallel_loop3A_325 = arith.addf %parallel_loop3A_317, %parallel_loop3A_324 : vector<16xf32>
      %parallel_loop3A_326 = arith.index_cast %parallel_loop3A_302 : i32 to index
      %parallel_loop3A_327 = arith.constant 16 : index
      %parallel_loop3A_328 = tpu.vector_load %arg15[%parallel_loop3A_326, %parallel_loop3A_327] {strides = array<i32>} : memref<128x128xf32, #tpu.memory_space<vmem>>, vector<16xf32>,
      %parallel_loop3A_329 = arith.index_cast %parallel_loop3A_302 : i32 to index
      %parallel_loop3A_330 = arith.constant 16 : index
      %parallel_loop3A_331 = tpu.vector_load %arg16[%parallel_loop3A_329, %parallel_loop3A_330] {strides = array<i32>} : memref<128x128xf32, #tpu.memory_space<vmem>>, vector<16xf32>,
      %parallel_loop3A_332 = arith.mulf %parallel_loop3A_328, %parallel_loop3A_331 : vector<16xf32>
      %parallel_loop3A_333 = arith.addf %parallel_loop3A_325, %parallel_loop3A_332 : vector<16xf32>
      %parallel_loop3A_334 = arith.index_cast %parallel_loop3A_302 : i32 to index
      %parallel_loop3A_335 = arith.constant 16 : index
      %parallel_loop3A_336 = tpu.vector_load %arg17[%parallel_loop3A_334, %parallel_loop3A_335] {strides = array<i32>} : memref<128x128xf32, #tpu.memory_space<vmem>>, vector<16xf32>,
      %parallel_loop3A_337 = arith.index_cast %parallel_loop3A_302 : i32 to index
      %parallel_loop3A_338 = arith.constant 16 : index
      %parallel_loop3A_339 = tpu.vector_load %arg19[%parallel_loop3A_337, %parallel_loop3A_338] {strides = array<i32>} : memref<128x128xf32, #tpu.memory_space<vmem>>, vector<16xf32>,
      %parallel_loop3A_340 = arith.mulf %parallel_loop3A_336, %parallel_loop3A_339 : vector<16xf32>
      %parallel_loop3A_341 = arith.addf %parallel_loop3A_333, %parallel_loop3A_340 : vector<16xf32>
      %parallel_loop3A_342 = arith.index_cast %parallel_loop3A_302 : i32 to index
      %parallel_loop3A_343 = arith.constant 16 : index
      %parallel_loop3A_344 = tpu.vector_load %arg18[%parallel_loop3A_342, %parallel_loop3A_343] {strides = array<i32>} : memref<128x128xf32, #tpu.memory_space<vmem>>, vector<16xf32>,
      %parallel_loop3A_345 = arith.index_cast %parallel_loop3A_302 : i32 to index
      %parallel_loop3A_346 = arith.constant 16 : index
      %parallel_loop3A_347 = tpu.vector_load %arg20[%parallel_loop3A_345, %parallel_loop3A_346] {strides = array<i32>} : memref<128x128xf32, #tpu.memory_space<vmem>>, vector<16xf32>,
      %parallel_loop3A_348 = arith.mulf %parallel_loop3A_344, %parallel_loop3A_347 : vector<16xf32>
      %parallel_loop3A_349 = arith.addf %parallel_loop3A_341, %parallel_loop3A_348 : vector<16xf32>
      %parallel_loop3A_350 = arith.index_cast %parallel_loop3A_302 : i32 to index
      %parallel_loop3A_351 = arith.constant 32 : index
      %parallel_loop3A_352 = tpu.vector_load %arg15[%parallel_loop3A_350, %parallel_loop3A_351] {strides = array<i32>} : memref<128x128xf32, #tpu.memory_space<vmem>>, vector<16xf32>,
      %parallel_loop3A_353 = arith.index_cast %parallel_loop3A_302 : i32 to index
      %parallel_loop3A_354 = arith.constant 32 : index
      %parallel_loop3A_355 = tpu.vector_load %arg16[%parallel_loop3A_353, %parallel_loop3A_354] {strides = array<i32>} : memref<128x128xf32, #tpu.memory_space<vmem>>, vector<16xf32>,
      %parallel_loop3A_356 = arith.mulf %parallel_loop3A_352, %parallel_loop3A_355 : vector<16xf32>
      %parallel_loop3A_357 = arith.addf %parallel_loop3A_349, %parallel_loop3A_356 : vector<16xf32>
      %parallel_loop3A_358 = arith.index_cast %parallel_loop3A_302 : i32 to index
      %parallel_loop3A_359 = arith.constant 32 : index
      %parallel_loop3A_360 = tpu.vector_load %arg17[%parallel_loop3A_358, %parallel_loop3A_359] {strides = array<i32>} : memref<128x128xf32, #tpu.memory_space<vmem>>, vector<16xf32>,
      %parallel_loop3A_361 = arith.index_cast %parallel_loop3A_302 : i32 to index
      %parallel_loop3A_362 = arith.constant 32 : index
      %parallel_loop3A_363 = tpu.vector_load %arg19[%parallel_loop3A_361, %parallel_loop3A_362] {strides = array<i32>} : memref<128x128xf32, #tpu.memory_space<vmem>>, vector<16xf32>,
      %parallel_loop3A_364 = arith.mulf %parallel_loop3A_360, %parallel_loop3A_363 : vector<16xf32>
      %parallel_loop3A_365 = arith.addf %parallel_loop3A_357, %parallel_loop3A_364 : vector<16xf32>
      %parallel_loop3A_366 = arith.index_cast %parallel_loop3A_302 : i32 to index
      %parallel_loop3A_367 = arith.constant 32 : index
      %parallel_loop3A_368 = tpu.vector_load %arg18[%parallel_loop3A_366, %parallel_loop3A_367] {strides = array<i32>} : memref<128x128xf32, #tpu.memory_space<vmem>>, vector<16xf32>,
      %parallel_loop3A_369 = arith.index_cast %parallel_loop3A_302 : i32 to index
      %parallel_loop3A_370 = arith.constant 32 : index
      %parallel_loop3A_371 = tpu.vector_load %arg20[%parallel_loop3A_369, %parallel_loop3A_370] {strides = array<i32>} : memref<128x128xf32, #tpu.memory_space<vmem>>, vector<16xf32>,
      %parallel_loop3A_372 = arith.mulf %parallel_loop3A_368, %parallel_loop3A_371 : vector<16xf32>
      %parallel_loop3A_373 = arith.addf %parallel_loop3A_365, %parallel_loop3A_372 : vector<16xf32>
      %parallel_loop3A_374 = arith.index_cast %parallel_loop3A_302 : i32 to index
      %parallel_loop3A_375 = arith.constant 48 : index
      %parallel_loop3A_376 = tpu.vector_load %arg15[%parallel_loop3A_374, %parallel_loop3A_375] {strides = array<i32>} : memref<128x128xf32, #tpu.memory_space<vmem>>, vector<16xf32>,
      %parallel_loop3A_377 = arith.index_cast %parallel_loop3A_302 : i32 to index
      %parallel_loop3A_378 = arith.constant 48 : index
      %parallel_loop3A_379 = tpu.vector_load %arg16[%parallel_loop3A_377, %parallel_loop3A_378] {strides = array<i32>} : memref<128x128xf32, #tpu.memory_space<vmem>>, vector<16xf32>,
      %parallel_loop3A_380 = arith.mulf %parallel_loop3A_376, %parallel_loop3A_379 : vector<16xf32>
      %parallel_loop3A_381 = arith.addf %parallel_loop3A_373, %parallel_loop3A_380 : vector<16xf32>
      %parallel_loop3A_382 = arith.index_cast %parallel_loop3A_302 : i32 to index
      %parallel_loop3A_383 = arith.constant 48 : index
      %parallel_loop3A_384 = tpu.vector_load %arg17[%parallel_loop3A_382, %parallel_loop3A_383] {strides = array<i32>} : memref<128x128xf32, #tpu.memory_space<vmem>>, vector<16xf32>,
      %parallel_loop3A_385 = arith.index_cast %parallel_loop3A_302 : i32 to index
      %parallel_loop3A_386 = arith.constant 48 : index
      %parallel_loop3A_387 = tpu.vector_load %arg19[%parallel_loop3A_385, %parallel_loop3A_386] {strides = array<i32>} : memref<128x128xf32, #tpu.memory_space<vmem>>, vector<16xf32>,
      %parallel_loop3A_388 = arith.mulf %parallel_loop3A_384, %parallel_loop3A_387 : vector<16xf32>
      %parallel_loop3A_389 = arith.addf %parallel_loop3A_381, %parallel_loop3A_388 : vector<16xf32>
      %parallel_loop3A_390 = arith.index_cast %parallel_loop3A_302 : i32 to index
      %parallel_loop3A_391 = arith.constant 48 : index
      %parallel_loop3A_392 = tpu.vector_load %arg18[%parallel_loop3A_390, %parallel_loop3A_391] {strides = array<i32>} : memref<128x128xf32, #tpu.memory_space<vmem>>, vector<16xf32>,
      %parallel_loop3A_393 = arith.index_cast %parallel_loop3A_302 : i32 to index
      %parallel_loop3A_394 = arith.constant 48 : index
      %parallel_loop3A_395 = tpu.vector_load %arg20[%parallel_loop3A_393, %parallel_loop3A_394] {strides = array<i32>} : memref<128x128xf32, #tpu.memory_space<vmem>>, vector<16xf32>,
      %parallel_loop3A_396 = arith.mulf %parallel_loop3A_392, %parallel_loop3A_395 : vector<16xf32>
      %parallel_loop3A_397 = arith.addf %parallel_loop3A_389, %parallel_loop3A_396 : vector<16xf32>
      %parallel_loop3A_398 = arith.index_cast %parallel_loop3A_302 : i32 to index
      %parallel_loop3A_399 = arith.constant 64 : index
      %parallel_loop3A_400 = tpu.vector_load %arg15[%parallel_loop3A_398, %parallel_loop3A_399] {strides = array<i32>} : memref<128x128xf32, #tpu.memory_space<vmem>>, vector<16xf32>,
      %parallel_loop3A_401 = arith.index_cast %parallel_loop3A_302 : i32 to index
      %parallel_loop3A_402 = arith.constant 64 : index
      %parallel_loop3A_403 = tpu.vector_load %arg16[%parallel_loop3A_401, %parallel_loop3A_402] {strides = array<i32>} : memref<128x128xf32, #tpu.memory_space<vmem>>, vector<16xf32>,
      %parallel_loop3A_404 = arith.mulf %parallel_loop3A_400, %parallel_loop3A_403 : vector<16xf32>
      %parallel_loop3A_405 = arith.addf %parallel_loop3A_397, %parallel_loop3A_404 : vector<16xf32>
      %parallel_loop3A_406 = arith.index_cast %parallel_loop3A_302 : i32 to index
      %parallel_loop3A_407 = arith.constant 64 : index
      %parallel_loop3A_408 = tpu.vector_load %arg17[%parallel_loop3A_406, %parallel_loop3A_407] {strides = array<i32>} : memref<128x128xf32, #tpu.memory_space<vmem>>, vector<16xf32>,
      %parallel_loop3A_409 = arith.index_cast %parallel_loop3A_302 : i32 to index
      %parallel_loop3A_410 = arith.constant 64 : index
      %parallel_loop3A_411 = tpu.vector_load %arg19[%parallel_loop3A_409, %parallel_loop3A_410] {strides = array<i32>} : memref<128x128xf32, #tpu.memory_space<vmem>>, vector<16xf32>,
      %parallel_loop3A_412 = arith.mulf %parallel_loop3A_408, %parallel_loop3A_411 : vector<16xf32>
      %parallel_loop3A_413 = arith.addf %parallel_loop3A_405, %parallel_loop3A_412 : vector<16xf32>
      %parallel_loop3A_414 = arith.index_cast %parallel_loop3A_302 : i32 to index
      %parallel_loop3A_415 = arith.constant 64 : index
      %parallel_loop3A_416 = tpu.vector_load %arg18[%parallel_loop3A_414, %parallel_loop3A_415] {strides = array<i32>} : memref<128x128xf32, #tpu.memory_space<vmem>>, vector<16xf32>,
      %parallel_loop3A_417 = arith.index_cast %parallel_loop3A_302 : i32 to index
      %parallel_loop3A_418 = arith.constant 64 : index
      %parallel_loop3A_419 = tpu.vector_load %arg20[%parallel_loop3A_417, %parallel_loop3A_418] {strides = array<i32>} : memref<128x128xf32, #tpu.memory_space<vmem>>, vector<16xf32>,
      %parallel_loop3A_420 = arith.mulf %parallel_loop3A_416, %parallel_loop3A_419 : vector<16xf32>
      %parallel_loop3A_421 = arith.addf %parallel_loop3A_413, %parallel_loop3A_420 : vector<16xf32>
      %parallel_loop3A_422 = arith.index_cast %parallel_loop3A_302 : i32 to index
      %parallel_loop3A_423 = arith.constant 80 : index
      %parallel_loop3A_424 = tpu.vector_load %arg15[%parallel_loop3A_422, %parallel_loop3A_423] {strides = array<i32>} : memref<128x128xf32, #tpu.memory_space<vmem>>, vector<16xf32>,
      %parallel_loop3A_425 = arith.index_cast %parallel_loop3A_302 : i32 to index
      %parallel_loop3A_426 = arith.constant 80 : index
      %parallel_loop3A_427 = tpu.vector_load %arg16[%parallel_loop3A_425, %parallel_loop3A_426] {strides = array<i32>} : memref<128x128xf32, #tpu.memory_space<vmem>>, vector<16xf32>,
      %parallel_loop3A_428 = arith.mulf %parallel_loop3A_424, %parallel_loop3A_427 : vector<16xf32>
      %parallel_loop3A_429 = arith.addf %parallel_loop3A_421, %parallel_loop3A_428 : vector<16xf32>
      %parallel_loop3A_430 = arith.index_cast %parallel_loop3A_302 : i32 to index
      %parallel_loop3A_431 = arith.constant 80 : index
      %parallel_loop3A_432 = tpu.vector_load %arg17[%parallel_loop3A_430, %parallel_loop3A_431] {strides = array<i32>} : memref<128x128xf32, #tpu.memory_space<vmem>>, vector<16xf32>,
      %parallel_loop3A_433 = arith.index_cast %parallel_loop3A_302 : i32 to index
      %parallel_loop3A_434 = arith.constant 80 : index
      %parallel_loop3A_435 = tpu.vector_load %arg19[%parallel_loop3A_433, %parallel_loop3A_434] {strides = array<i32>} : memref<128x128xf32, #tpu.memory_space<vmem>>, vector<16xf32>,
      %parallel_loop3A_436 = arith.mulf %parallel_loop3A_432, %parallel_loop3A_435 : vector<16xf32>
      %parallel_loop3A_437 = arith.addf %parallel_loop3A_429, %parallel_loop3A_436 : vector<16xf32>
      %parallel_loop3A_438 = arith.index_cast %parallel_loop3A_302 : i32 to index
      %parallel_loop3A_439 = arith.constant 80 : index
      %parallel_loop3A_440 = tpu.vector_load %arg18[%parallel_loop3A_438, %parallel_loop3A_439] {strides = array<i32>} : memref<128x128xf32, #tpu.memory_space<vmem>>, vector<16xf32>,
      %parallel_loop3A_441 = arith.index_cast %parallel_loop3A_302 : i32 to index
      %parallel_loop3A_442 = arith.constant 80 : index
      %parallel_loop3A_443 = tpu.vector_load %arg20[%parallel_loop3A_441, %parallel_loop3A_442] {strides = array<i32>} : memref<128x128xf32, #tpu.memory_space<vmem>>, vector<16xf32>,
      %parallel_loop3A_444 = arith.mulf %parallel_loop3A_440, %parallel_loop3A_443 : vector<16xf32>
      %parallel_loop3A_445 = arith.addf %parallel_loop3A_437, %parallel_loop3A_444 : vector<16xf32>
      %parallel_loop3A_446 = arith.index_cast %parallel_loop3A_302 : i32 to index
      %parallel_loop3A_447 = arith.constant 96 : index
      %parallel_loop3A_448 = tpu.vector_load %arg15[%parallel_loop3A_446, %parallel_loop3A_447] {strides = array<i32>} : memref<128x128xf32, #tpu.memory_space<vmem>>, vector<16xf32>,
      %parallel_loop3A_449 = arith.index_cast %parallel_loop3A_302 : i32 to index
      %parallel_loop3A_450 = arith.constant 96 : index
      %parallel_loop3A_451 = tpu.vector_load %arg16[%parallel_loop3A_449, %parallel_loop3A_450] {strides = array<i32>} : memref<128x128xf32, #tpu.memory_space<vmem>>, vector<16xf32>,
      %parallel_loop3A_452 = arith.mulf %parallel_loop3A_448, %parallel_loop3A_451 : vector<16xf32>
      %parallel_loop3A_453 = arith.addf %parallel_loop3A_445, %parallel_loop3A_452 : vector<16xf32>
      %parallel_loop3A_454 = arith.index_cast %parallel_loop3A_302 : i32 to index
      %parallel_loop3A_455 = arith.constant 96 : index
      %parallel_loop3A_456 = tpu.vector_load %arg17[%parallel_loop3A_454, %parallel_loop3A_455] {strides = array<i32>} : memref<128x128xf32, #tpu.memory_space<vmem>>, vector<16xf32>,
      %parallel_loop3A_457 = arith.index_cast %parallel_loop3A_302 : i32 to index
      %parallel_loop3A_458 = arith.constant 96 : index
      %parallel_loop3A_459 = tpu.vector_load %arg19[%parallel_loop3A_457, %parallel_loop3A_458] {strides = array<i32>} : memref<128x128xf32, #tpu.memory_space<vmem>>, vector<16xf32>,
      %parallel_loop3A_460 = arith.mulf %parallel_loop3A_456, %parallel_loop3A_459 : vector<16xf32>
      %parallel_loop3A_461 = arith.addf %parallel_loop3A_453, %parallel_loop3A_460 : vector<16xf32>
      %parallel_loop3A_462 = arith.index_cast %parallel_loop3A_302 : i32 to index
      %parallel_loop3A_463 = arith.constant 96 : index
      %parallel_loop3A_464 = tpu.vector_load %arg18[%parallel_loop3A_462, %parallel_loop3A_463] {strides = array<i32>} : memref<128x128xf32, #tpu.memory_space<vmem>>, vector<16xf32>,
      %parallel_loop3A_465 = arith.index_cast %parallel_loop3A_302 : i32 to index
      %parallel_loop3A_466 = arith.constant 96 : index
      %parallel_loop3A_467 = tpu.vector_load %arg20[%parallel_loop3A_465, %parallel_loop3A_466] {strides = array<i32>} : memref<128x128xf32, #tpu.memory_space<vmem>>, vector<16xf32>,
      %parallel_loop3A_468 = arith.mulf %parallel_loop3A_464, %parallel_loop3A_467 : vector<16xf32>
      %parallel_loop3A_469 = arith.addf %parallel_loop3A_461, %parallel_loop3A_468 : vector<16xf32>
      %parallel_loop3A_470 = arith.index_cast %parallel_loop3A_302 : i32 to index
      %parallel_loop3A_471 = arith.constant 112 : index
      %parallel_loop3A_472 = tpu.vector_load %arg15[%parallel_loop3A_470, %parallel_loop3A_471] {strides = array<i32>} : memref<128x128xf32, #tpu.memory_space<vmem>>, vector<16xf32>,
      %parallel_loop3A_473 = arith.index_cast %parallel_loop3A_302 : i32 to index
      %parallel_loop3A_474 = arith.constant 112 : index
      %parallel_loop3A_475 = tpu.vector_load %arg16[%parallel_loop3A_473, %parallel_loop3A_474] {strides = array<i32>} : memref<128x128xf32, #tpu.memory_space<vmem>>, vector<16xf32>,
      %parallel_loop3A_476 = arith.mulf %parallel_loop3A_472, %parallel_loop3A_475 : vector<16xf32>
      %parallel_loop3A_477 = arith.addf %parallel_loop3A_469, %parallel_loop3A_476 : vector<16xf32>
      %parallel_loop3A_478 = arith.index_cast %parallel_loop3A_302 : i32 to index
      %parallel_loop3A_479 = arith.constant 112 : index
      %parallel_loop3A_480 = tpu.vector_load %arg17[%parallel_loop3A_478, %parallel_loop3A_479] {strides = array<i32>} : memref<128x128xf32, #tpu.memory_space<vmem>>, vector<16xf32>,
      %parallel_loop3A_481 = arith.index_cast %parallel_loop3A_302 : i32 to index
      %parallel_loop3A_482 = arith.constant 112 : index
      %parallel_loop3A_483 = tpu.vector_load %arg19[%parallel_loop3A_481, %parallel_loop3A_482] {strides = array<i32>} : memref<128x128xf32, #tpu.memory_space<vmem>>, vector<16xf32>,
      %parallel_loop3A_484 = arith.mulf %parallel_loop3A_480, %parallel_loop3A_483 : vector<16xf32>
      %parallel_loop3A_485 = arith.addf %parallel_loop3A_477, %parallel_loop3A_484 : vector<16xf32>
      %parallel_loop3A_486 = arith.index_cast %parallel_loop3A_302 : i32 to index
      %parallel_loop3A_487 = arith.constant 112 : index
      %parallel_loop3A_488 = tpu.vector_load %arg18[%parallel_loop3A_486, %parallel_loop3A_487] {strides = array<i32>} : memref<128x128xf32, #tpu.memory_space<vmem>>, vector<16xf32>,
      %parallel_loop3A_489 = arith.index_cast %parallel_loop3A_302 : i32 to index
      %parallel_loop3A_490 = arith.constant 112 : index
      %parallel_loop3A_491 = tpu.vector_load %arg20[%parallel_loop3A_489, %parallel_loop3A_490] {strides = array<i32>} : memref<128x128xf32, #tpu.memory_space<vmem>>, vector<16xf32>,
      %parallel_loop3A_492 = arith.mulf %parallel_loop3A_488, %parallel_loop3A_491 : vector<16xf32>
      %parallel_loop3A_493 = arith.addf %parallel_loop3A_485, %parallel_loop3A_492 : vector<16xf32>
      %parallel_loop3A_494 = arith.constant true
      %parallel_loop3A_495 = vector.broadcast %parallel_loop3A_494 : i1 to vector<16xi1>
      %parallel_loop3A_496 = tpu.scan <sum>, %parallel_loop3A_493 masked %parallel_loop3A_495 : vector<16xf32>, vector<16xi1> -> vector<16xf32>
      %parallel_loop3A_497 = vector.broadcast %parallel_loop3A_302 : i32 to vector<16xi32>
      tpu.vector_store_idx %arg23[%parallel_loop3A_497], %parallel_loop3A_496 masked %eq3A_21 : memref<128xf32, #tpu.memory_space<vmem>>[vector<16xi32>], vector<16xf32>, vector<16xi1>
    } {sc.loop_unroll_factor = 2 : i64, sc.parallel_access}
    %eq3A_211 = arith.constant 0 : i32
    %eq3A_212 = arith.cmpi eq, %arg1, %eq3A_211 : i32
    %convert_element_type3A_213 = arith.extui %eq3A_212 : i1 to i32
    %cond3A_214 = arith.constant 0 : i32
    %cond3A_215 = arith.cmpi ne, %convert_element_type3A_213, %cond3A_214 : i32
    scf.if %cond3A_215 {
      %dma_wait3A_302 = arith.constant 0 : i32
      %dma_wait3A_303 = arith.constant 0 : i32
      %dma_wait3A_304 = tpu.memref_slice %arg8[%dma_wait3A_302, %dma_wait3A_303] : memref<1x100000xf32, #tpu.memory_space<hbm>> -> memref<1x100000xf32, #tpu.memory_space<hbm>>
      %dma_wait3A_305 = tpu.memref_squeeze %dma_wait3A_304 : memref<1x100000xf32, #tpu.memory_space<hbm>> -> memref<100000xf32, #tpu.memory_space<hbm>>
      tpu.wait_dma2 semaphore(%arg29 : memref<!tpu.dma_semaphore, #tpu.memory_space<semaphore_mem>>) src(%dma_wait3A_305 : memref<100000xf32, #tpu.memory_space<hbm>>) dst(%arg24 : memref<100000xf32, #tpu.memory_space<vmem_shared>>)
      %dma_wait3A_306 = arith.constant 0 : i32
      %dma_wait3A_307 = arith.constant 0 : i32
      %dma_wait3A_308 = tpu.memref_slice %arg9[%dma_wait3A_306, %dma_wait3A_307] : memref<1x100000xf32, #tpu.memory_space<hbm>> -> memref<1x100000xf32, #tpu.memory_space<hbm>>
      %dma_wait3A_309 = tpu.memref_squeeze %dma_wait3A_308 : memref<1x100000xf32, #tpu.memory_space<hbm>> -> memref<100000xf32, #tpu.memory_space<hbm>>
      tpu.wait_dma2 semaphore(%arg29 : memref<!tpu.dma_semaphore, #tpu.memory_space<semaphore_mem>>) src(%dma_wait3A_309 : memref<100000xf32, #tpu.memory_space<hbm>>) dst(%arg25 : memref<100000xf32, #tpu.memory_space<vmem_shared>>)
    } else {
    }
    %barrier3A = arith.constant 0 : index
    tpu.barrier barrier_id(%barrier3A)
    %dma_start3A_216 = arith.constant 0 : i32
    %dma_start3A_217 = tpu.memref_slice %arg24[%dma_start3A_216] : memref<100000xf32, #tpu.memory_space<vmem_shared>> -> memref<100000xf32, #tpu.memory_space<vmem_shared>>
    tpu.enqueue_indirect_dma source(%dma_start3A_217 : memref<100000xf32, #tpu.memory_space<vmem_shared>>) target(%arg21 : memref<128xf32, #tpu.memory_space<vmem>>) offsets(%arg13 : memref<128xi32, #tpu.memory_space<vmem>>) semaphore(%arg27 : memref<!tpu.dma_semaphore, #tpu.memory_space<semaphore_mem>>)
    %dma_start3A_218 = arith.constant 0 : i32
    %dma_start3A_219 = tpu.memref_slice %arg25[%dma_start3A_218] : memref<100000xf32, #tpu.memory_space<vmem_shared>> -> memref<100000xf32, #tpu.memory_space<vmem_shared>>
    tpu.enqueue_indirect_dma source(%dma_start3A_219 : memref<100000xf32, #tpu.memory_space<vmem_shared>>) target(%arg22 : memref<128xf32, #tpu.memory_space<vmem>>) offsets(%arg14 : memref<128xi32, #tpu.memory_space<vmem>>) semaphore(%arg27 : memref<!tpu.dma_semaphore, #tpu.memory_space<semaphore_mem>>)
    %dma_wait3A_220 = arith.constant 0 : i32
    %dma_wait3A_221 = tpu.memref_slice %arg24[%dma_wait3A_220] : memref<100000xf32, #tpu.memory_space<vmem_shared>> -> memref<100000xf32, #tpu.memory_space<vmem_shared>>
    tpu.wait_indirect_dma semaphore(%arg27 : memref<!tpu.dma_semaphore, #tpu.memory_space<semaphore_mem>>) src(%dma_wait3A_221 : memref<100000xf32, #tpu.memory_space<vmem_shared>>) dst(%arg21 : memref<128xf32, #tpu.memory_space<vmem>>)
    %dma_wait3A_222 = arith.constant 0 : i32
    %dma_wait3A_223 = tpu.memref_slice %arg25[%dma_wait3A_222] : memref<100000xf32, #tpu.memory_space<vmem_shared>> -> memref<100000xf32, #tpu.memory_space<vmem_shared>>
    tpu.wait_indirect_dma semaphore(%arg27 : memref<!tpu.dma_semaphore, #tpu.memory_space<semaphore_mem>>) src(%dma_wait3A_223 : memref<100000xf32, #tpu.memory_space<vmem_shared>>) dst(%arg22 : memref<128xf32, #tpu.memory_space<vmem>>)
    %get3A = arith.constant 0 : index
    %get3A_224 = tpu.vector_load %arg23[%get3A] {strides = array<i32>} : memref<128xf32, #tpu.memory_space<vmem>>, vector<16xf32>,
    %get3A_225 = arith.constant 0 : index
    %get3A_226 = tpu.vector_load %arg21[%get3A_225] {strides = array<i32>} : memref<128xf32, #tpu.memory_space<vmem>>, vector<16xf32>,
    %add3A_227 = arith.addf %get3A_224, %get3A_226 : vector<16xf32>
    %get3A_228 = arith.constant 0 : index
    %get3A_229 = tpu.vector_load %arg22[%get3A_228] {strides = array<i32>} : memref<128xf32, #tpu.memory_space<vmem>>, vector<16xf32>,
    %add3A_230 = arith.addf %add3A_227, %get3A_229 : vector<16xf32>
    %swap3A = arith.constant 0 : index
    %swap3A_231 = tpu.vector_load %arg23[%swap3A] {strides = array<i32>} : memref<128xf32, #tpu.memory_space<vmem>>, vector<16xf32>,
    tpu.vector_store %arg23[%swap3A], %add3A_230 {strides = array<i32>} : memref<128xf32, #tpu.memory_space<vmem>>, vector<16xf32>,
    %get3A_232 = arith.constant 16 : index
    %get3A_233 = tpu.vector_load %arg23[%get3A_232] {strides = array<i32>} : memref<128xf32, #tpu.memory_space<vmem>>, vector<16xf32>,
    %get3A_234 = arith.constant 16 : index
    %get3A_235 = tpu.vector_load %arg21[%get3A_234] {strides = array<i32>} : memref<128xf32, #tpu.memory_space<vmem>>, vector<16xf32>,
    %add3A_236 = arith.addf %get3A_233, %get3A_235 : vector<16xf32>
    %get3A_237 = arith.constant 16 : index
    %get3A_238 = tpu.vector_load %arg22[%get3A_237] {strides = array<i32>} : memref<128xf32, #tpu.memory_space<vmem>>, vector<16xf32>,
    %add3A_239 = arith.addf %add3A_236, %get3A_238 : vector<16xf32>
    %swap3A_240 = arith.constant 16 : index
    %swap3A_241 = tpu.vector_load %arg23[%swap3A_240] {strides = array<i32>} : memref<128xf32, #tpu.memory_space<vmem>>, vector<16xf32>,
    tpu.vector_store %arg23[%swap3A_240], %add3A_239 {strides = array<i32>} : memref<128xf32, #tpu.memory_space<vmem>>, vector<16xf32>,
    %get3A_242 = arith.constant 32 : index
    %get3A_243 = tpu.vector_load %arg23[%get3A_242] {strides = array<i32>} : memref<128xf32, #tpu.memory_space<vmem>>, vector<16xf32>,
    %get3A_244 = arith.constant 32 : index
    %get3A_245 = tpu.vector_load %arg21[%get3A_244] {strides = array<i32>} : memref<128xf32, #tpu.memory_space<vmem>>, vector<16xf32>,
    %add3A_246 = arith.addf %get3A_243, %get3A_245 : vector<16xf32>
    %get3A_247 = arith.constant 32 : index
    %get3A_248 = tpu.vector_load %arg22[%get3A_247] {strides = array<i32>} : memref<128xf32, #tpu.memory_space<vmem>>, vector<16xf32>,
    %add3A_249 = arith.addf %add3A_246, %get3A_248 : vector<16xf32>
    %swap3A_250 = arith.constant 32 : index
    %swap3A_251 = tpu.vector_load %arg23[%swap3A_250] {strides = array<i32>} : memref<128xf32, #tpu.memory_space<vmem>>, vector<16xf32>,
    tpu.vector_store %arg23[%swap3A_250], %add3A_249 {strides = array<i32>} : memref<128xf32, #tpu.memory_space<vmem>>, vector<16xf32>,
    %get3A_252 = arith.constant 48 : index
    %get3A_253 = tpu.vector_load %arg23[%get3A_252] {strides = array<i32>} : memref<128xf32, #tpu.memory_space<vmem>>, vector<16xf32>,
    %get3A_254 = arith.constant 48 : index
    %get3A_255 = tpu.vector_load %arg21[%get3A_254] {strides = array<i32>} : memref<128xf32, #tpu.memory_space<vmem>>, vector<16xf32>,
    %add3A_256 = arith.addf %get3A_253, %get3A_255 : vector<16xf32>
    %get3A_257 = arith.constant 48 : index
    %get3A_258 = tpu.vector_load %arg22[%get3A_257] {strides = array<i32>} : memref<128xf32, #tpu.memory_space<vmem>>, vector<16xf32>,
    %add3A_259 = arith.addf %add3A_256, %get3A_258 : vector<16xf32>
    %swap3A_260 = arith.constant 48 : index
    %swap3A_261 = tpu.vector_load %arg23[%swap3A_260] {strides = array<i32>} : memref<128xf32, #tpu.memory_space<vmem>>, vector<16xf32>,
    tpu.vector_store %arg23[%swap3A_260], %add3A_259 {strides = array<i32>} : memref<128xf32, #tpu.memory_space<vmem>>, vector<16xf32>,
    %get3A_262 = arith.constant 64 : index
    %get3A_263 = tpu.vector_load %arg23[%get3A_262] {strides = array<i32>} : memref<128xf32, #tpu.memory_space<vmem>>, vector<16xf32>,
    %get3A_264 = arith.constant 64 : index
    %get3A_265 = tpu.vector_load %arg21[%get3A_264] {strides = array<i32>} : memref<128xf32, #tpu.memory_space<vmem>>, vector<16xf32>,
    %add3A_266 = arith.addf %get3A_263, %get3A_265 : vector<16xf32>
    %get3A_267 = arith.constant 64 : index
    %get3A_268 = tpu.vector_load %arg22[%get3A_267] {strides = array<i32>} : memref<128xf32, #tpu.memory_space<vmem>>, vector<16xf32>,
    %add3A_269 = arith.addf %add3A_266, %get3A_268 : vector<16xf32>
    %swap3A_270 = arith.constant 64 : index
    %swap3A_271 = tpu.vector_load %arg23[%swap3A_270] {strides = array<i32>} : memref<128xf32, #tpu.memory_space<vmem>>, vector<16xf32>,
    tpu.vector_store %arg23[%swap3A_270], %add3A_269 {strides = array<i32>} : memref<128xf32, #tpu.memory_space<vmem>>, vector<16xf32>,
    %get3A_272 = arith.constant 80 : index
    %get3A_273 = tpu.vector_load %arg23[%get3A_272] {strides = array<i32>} : memref<128xf32, #tpu.memory_space<vmem>>, vector<16xf32>,
    %get3A_274 = arith.constant 80 : index
    %get3A_275 = tpu.vector_load %arg21[%get3A_274] {strides = array<i32>} : memref<128xf32, #tpu.memory_space<vmem>>, vector<16xf32>,
    %add3A_276 = arith.addf %get3A_273, %get3A_275 : vector<16xf32>
    %get3A_277 = arith.constant 80 : index
    %get3A_278 = tpu.vector_load %arg22[%get3A_277] {strides = array<i32>} : memref<128xf32, #tpu.memory_space<vmem>>, vector<16xf32>,
    %add3A_279 = arith.addf %add3A_276, %get3A_278 : vector<16xf32>
    %swap3A_280 = arith.constant 80 : index
    %swap3A_281 = tpu.vector_load %arg23[%swap3A_280] {strides = array<i32>} : memref<128xf32, #tpu.memory_space<vmem>>, vector<16xf32>,
    tpu.vector_store %arg23[%swap3A_280], %add3A_279 {strides = array<i32>} : memref<128xf32, #tpu.memory_space<vmem>>, vector<16xf32>,
    %get3A_282 = arith.constant 96 : index
    %get3A_283 = tpu.vector_load %arg23[%get3A_282] {strides = array<i32>} : memref<128xf32, #tpu.memory_space<vmem>>, vector<16xf32>,
    %get3A_284 = arith.constant 96 : index
    %get3A_285 = tpu.vector_load %arg21[%get3A_284] {strides = array<i32>} : memref<128xf32, #tpu.memory_space<vmem>>, vector<16xf32>,
    %add3A_286 = arith.addf %get3A_283, %get3A_285 : vector<16xf32>
    %get3A_287 = arith.constant 96 : index
    %get3A_288 = tpu.vector_load %arg22[%get3A_287] {strides = array<i32>} : memref<128xf32, #tpu.memory_space<vmem>>, vector<16xf32>,
    %add3A_289 = arith.addf %add3A_286, %get3A_288 : vector<16xf32>
    %swap3A_290 = arith.constant 96 : index
    %swap3A_291 = tpu.vector_load %arg23[%swap3A_290] {strides = array<i32>} : memref<128xf32, #tpu.memory_space<vmem>>, vector<16xf32>,
    tpu.vector_store %arg23[%swap3A_290], %add3A_289 {strides = array<i32>} : memref<128xf32, #tpu.memory_space<vmem>>, vector<16xf32>,
    %get3A_292 = arith.constant 112 : index
    %get3A_293 = tpu.vector_load %arg23[%get3A_292] {strides = array<i32>} : memref<128xf32, #tpu.memory_space<vmem>>, vector<16xf32>,
    %get3A_294 = arith.constant 112 : index
    %get3A_295 = tpu.vector_load %arg21[%get3A_294] {strides = array<i32>} : memref<128xf32, #tpu.memory_space<vmem>>, vector<16xf32>,
    %add3A_296 = arith.addf %get3A_293, %get3A_295 : vector<16xf32>
    %get3A_297 = arith.constant 112 : index
    %get3A_298 = tpu.vector_load %arg22[%get3A_297] {strides = array<i32>} : memref<128xf32, #tpu.memory_space<vmem>>, vector<16xf32>,
    %add3A_299 = arith.addf %add3A_296, %get3A_298 : vector<16xf32>
    %swap3A_300 = arith.constant 112 : index
    %swap3A_301 = tpu.vector_load %arg23[%swap3A_300] {strides = array<i32>} : memref<128xf32, #tpu.memory_space<vmem>>, vector<16xf32>,
    tpu.vector_store %arg23[%swap3A_300], %add3A_299 {strides = array<i32>} : memref<128xf32, #tpu.memory_space<vmem>>, vector<16xf32>,
    "tpu.region"() ({
      %run_scoped3A = tpu.sem_alloc : memref<!tpu.dma_semaphore, #tpu.memory_space<semaphore_mem>>
      %dma_start3A_302 = tpu.memref_slice %arg12[%mul3A_2] : memref<4096xf32, #tpu.memory_space<hbm>> -> memref<128xf32, #tpu.memory_space<hbm>>
      %dma_start3A_303 = tpu.memref_slice %arg12[%mul3A_2] : memref<4096xf32, #tpu.memory_space<hbm>> -> memref<128xf32, #tpu.memory_space<hbm>>
      tpu.enqueue_dma source(%arg23 : memref<128xf32, #tpu.memory_space<vmem>>) target(%dma_start3A_303 : memref<128xf32, #tpu.memory_space<hbm>>) target_semaphore(%run_scoped3A : memref<!tpu.dma_semaphore, #tpu.memory_space<semaphore_mem>>)
      %dma_wait3A_304 = tpu.memref_slice %arg12[%mul3A_2] : memref<4096xf32, #tpu.memory_space<hbm>> -> memref<128xf32, #tpu.memory_space<hbm>>
      %dma_wait3A_305 = tpu.memref_slice %arg12[%mul3A_2] : memref<4096xf32, #tpu.memory_space<hbm>> -> memref<128xf32, #tpu.memory_space<hbm>>
      tpu.wait_dma2 semaphore(%run_scoped3A : memref<!tpu.dma_semaphore, #tpu.memory_space<semaphore_mem>>) src(%arg23 : memref<128xf32, #tpu.memory_space<vmem>>) dst(%dma_wait3A_305 : memref<128xf32, #tpu.memory_space<hbm>>)
      tpu.yield
    }) : () -> ()
    return
  }
}

</mosaic_0001>

<sc_bundles>
// kernel: _vtbpr.3.cloned.1.call-start
scs
__scs_entry_jumppad:
0x0: {  	(pc) =	sbr.rel $0x88, $3  }
0x1: {  	(tag) =	ssettag $0x0;
	lr =	simm.s32 $0x1  }
0x2: {  	[smem:$0x3F97] =	sst lr;
	_ =	strace $0xD0000000  }
0x3: {  	_ = 	snop  }
0x4: {  	_ = 	snop  }
0x5: {  	_ = 	snop  }
0x6: {  	_ = 	snop  }
0x7: {  	_ = 	snop  }
__scs_overlays_trampoline_lowered:
0x8: {  	[smem:$0x3FA6] =	sst s0  }
0x9: {  	[smem:$0x3FA7] =	sst s1  }
0xa: {  	[smem:$0x3FA8] =	sst s2  }
0xb: {  	[smem:$0x3FA9] =	sst s3  }
0xc: {  	[smem:$0x3FAA] =	sst s4  }
0xd: {  	[smem:$0x3FAB] =	sst s5  }
0xe: {  	[smem:$0x3FAC] =	sst s6  }
0xf: {  	[smem:$0x3FAD] =	sst s7  }
0x10: {  	[smem:$0x3FAE] =	sst s8  }
0x11: {  	[smem:$0x3FAF] =	sst s9;
	s0 =	simm.s32 @!p0 $0x0  }
0x12: {  	s1 =	sld [smem:$0x3F95];
	s0 =	simm.s32 @p0 $0x1  }
0x13: {  	[smem:$0x3FB0] =	sst s0;
	s0 =	simm.s32 @!p1 $0x0  }
0x14: {  	s2 =	sld [smem:$0x3F94];
	s0 =	simm.s32 @p1 $0x1  }
0x15: {  	[smem:$0x3FB1] =	sst s0;
	s0 =	simm.s32 @!p2 $0x0  }
0x16: {  	s3 =	sld [smem:$0x3FDB];
	s0 =	simm.s32 @p2 $0x1  }
0x17: {  	s4 =	simm.s32 $0x1BF5;
	[smem:$0x3FB3] =	sst s0  }
0x18: {  	s0 =	sld [smem:$0x3F96];
	_ =	swait.ge [sflag:s4], $0x0  }
0x19: {  	s7 =	sld [smem:$0x3F97]  }
0x1a: {  	s8 =	sadd.s32 $0xFFFFE003, lr  }
0x1b: {  	s9 =	sadd.s32 $0xFFFFFEF7, lr;
	s5 =	simm.s32 $0xFFFFFFFF;
	p2 =	slt.u32 s8, $0xFFFFF086  }
0x1c: {  	p1 =	slt.u32 s9, $0xF7A;
	s5 =	simm.s32 @!p2 $0x0  }
0x1d: {  	s5 =	simm.s32 @p1 $0x1;
	p0 =	seq.s32 s7, s2  }
0x1e: {  	s7 =	smul.u32 @!p0 $0xF7A, s2;
	p2 =	seq.s32 @!p0 s5, $0x0  }
0x1f: {  	s9 =	smul.u32 $0xF7A, s1;
	s8 =	simm.s32 @!p0 $0x1BF5;
	p2 =	por !p2, p0  }
0x20: {  	[sflag:s8] =	ssyncset.s32 @!p0 $0xFFFFF086;
	s6 =	sadd.s32 @!p0 s3, s7;
	s7 =	simm.s32 @!p0 $0x108  }
0x21: {  	s3 =	sadd.s32 s3, s9;
	s6 =	sadd.s32 @!p0 $0x88, s6;
	s7 =	simm.s32 @p2 $0x1082  }
0x22: {  	[simem:s7], [sflag:s8] =	dma.local @!p0 [hbm:s6], $0xF7A  }
0x23: {  	s9 =	sor.u32 $0xD0000000, s2;
	s6 =	simm.s32 $0x108;
	_ =	swait.ge @!p0 [sflag:s8], $0x0  }
0x24: {  	s3 =	sadd.s32 $0x88, s3;
	s6 =	simm.s32 @!p1 $0x1082;
	[sflag:s4] =	ssyncset.s32 $0xFFFFF086  }
0x25: {  	[simem:s6], [sflag:s4] =	dma.local [hbm:s3], $0xF7A  }
0x26: {  	[smem:$0x3F97] =	sst s1;
	(tag) =	ssettag s2;
	_ =	strace s9  }
0x27: {  	s1 =	sld [smem:$0x3FA7]  }
0x28: {  	s2 =	sld [smem:$0x3FA8]  }
0x29: {  	s4 =	sld [smem:$0x3FAA]  }
0x2a: {  	p0 =	seq.s32 s5, $0x0;
	s5 =	sld [smem:$0x3FAB]  }
0x2b: {  	s6 =	sld [smem:$0x3FAC]  }
0x2c: {  	s7 =	sld [smem:$0x3FAD]  }
0x2d: {  	s3 =	simm.s32 $0x108;
	s8 =	sld [smem:$0x3FAE]  }
0x2e: {  	s3 =	simm.s32 @!p0 $0x1082;
	s9 =	sld [smem:$0x3FAF]  }
0x2f: {  	lr =	sadd.s32 s0, s3;
	s0 =	sld [smem:$0x3FA6]  }
0x30: {  	s3 =	sld [smem:$0x3FA9]  }
0x31: {  	[smem:$0x3FB2] =	sst s10  }
0x32: {  	s10 =	sld [smem:$0x3FB0];
	_ =	sdelay $0x3  }
0x33: {  	p0 =	seq.s32 s10, $0x1;
	s10 =	sld [smem:$0x3FB2];
	_ =	sdelay $0x3  }
0x34: {  	[smem:$0x3FB2] =	sst s10  }
0x35: {  	s10 =	sld [smem:$0x3FB1];
	_ =	sdelay $0x3  }
0x36: {  	p1 =	seq.s32 s10, $0x1;
	s10 =	sld [smem:$0x3FB2];
	_ =	sdelay $0x3  }
0x37: {  	[smem:$0x3FB2] =	sst s10  }
0x38: {  	s10 =	sld [smem:$0x3FB3]  }
0x39: {  	_ = 	snop;
	(pc) =	sbr.ind lr, $3  }
0x3a: {  	_ = 	snop  }
0x3b: {  	_ = 	snop  }
0x3c: {  	p2 =	seq.s32 s10, $0x1;
	s10 =	sld [smem:$0x3FB2]  }
0x3d: {  	_ =	shalt  }
0x3e: {  	_ =	shalt  }
0x3f: {  	_ =	shalt  }
0x40: {  	_ =	shalt  }
0x41: {  	_ =	shalt  }
0x42: {  	_ =	shalt  }
0x43: {  	_ =	shalt  }
0x44: {  	_ =	shalt  }
0x45: {  	_ =	shalt  }
0x46: {  	_ =	shalt  }
0x47: {  	_ =	shalt  }
0x48: {  	_ =	shalt  }
0x49: {  	_ =	shalt  }
0x4a: {  	_ =	shalt  }
0x4b: {  	_ =	shalt  }
0x4c: {  	_ =	shalt  }
0x4d: {  	_ =	shalt  }
0x4e: {  	_ =	shalt  }
0x4f: {  	_ =	shalt  }
0x50: {  	_ =	shalt  }
0x51: {  	_ =	shalt  }
0x52: {  	_ =	shalt  }
0x53: {  	_ =	shalt  }
0x54: {  	_ =	shalt  }
0x55: {  	_ =	shalt  }
0x56: {  	_ =	shalt  }
0x57: {  	_ =	shalt  }
0x58: {  	_ =	shalt  }
0x59: {  	_ =	shalt  }
0x5a: {  	_ =	shalt  }
0x5b: {  	_ =	shalt  }
0x5c: {  	_ =	shalt  }
0x5d: {  	_ =	shalt  }
0x5e: {  	_ =	shalt  }
0x5f: {  	_ =	shalt  }
0x60: {  	_ =	shalt  }
0x61: {  	_ =	shalt  }
0x62: {  	_ =	shalt  }
0x63: {  	_ =	shalt  }
0x64: {  	_ =	shalt  }
0x65: {  	_ =	shalt  }
0x66: {  	_ =	shalt  }
0x67: {  	_ =	shalt  }
0x68: {  	_ =	shalt  }
0x69: {  	_ =	shalt  }
0x6a: {  	_ =	shalt  }
0x6b: {  	_ =	shalt  }
0x6c: {  	_ =	shalt  }
0x6d: {  	_ =	shalt  }
0x6e: {  	_ =	shalt  }
0x6f: {  	_ =	shalt  }
0x70: {  	_ =	shalt  }
0x71: {  	_ =	shalt  }
0x72: {  	_ =	shalt  }
0x73: {  	_ =	shalt  }
0x74: {  	_ =	shalt  }
0x75: {  	_ =	shalt  }
0x76: {  	_ =	shalt  }
0x77: {  	_ =	shalt  }
0x78: {  	_ =	shalt  }
0x79: {  	_ =	shalt  }
0x7a: {  	_ =	shalt  }
0x7b: {  	_ =	shalt  }
0x7c: {  	_ =	shalt  }
0x7d: {  	_ =	shalt  }
0x7e: {  	_ =	shalt  }
0x7f: {  	_ =	shalt  }
0x80: {  	_ =	shalt  }
0x81: {  	_ =	shalt  }
0x82: {  	_ =	shalt  }
0x83: {  	_ =	shalt  }
0x84: {  	_ =	shalt  }
0x85: {  	_ =	shalt  }
0x86: {  	_ =	shalt  }
0x87: {  	_ =	shalt  }
.Lfunc_end0:
.L_simem_size_0:
called_computation_lowered:
.L_overlay_start_0:
0x88: {  	s2 =	sld [smem:$0x3FD9]  }
0x89: {  	s3 =	sld [smem:$0x3FFE];
	_ =	sdelay $0x1  }
0x8a: {  	s1 =	srdreg.scid  }
0x8b: {  	s0 =	sand.u32 $0x1, s1  }
0x8c: {  	s18 =	sshll.u32 s0, $0xA;
	s2 =	sadd.s32 s3, s2  }
0x8d: {  	s2 =	sadd.s32 s2, s18  }
0x8e: {  	[smem:$0x3FBE] =	sst s2  }
0x8f: {  	_ = 	snop  }
0x90: {  	s2 =	sld [smem:$0x3FC9]  }
0x91: {  	s19 =	sld [smem:$0x3FC8]  }
0x92: {  	s4 =	sld [smem:$0x3FC7]  }
0x93: {  	s5 =	sld [smem:$0x3FC6]  }
0x94: {  	s6 =	sld [smem:$0x3FC5]  }
0x95: {  	s7 =	sld [smem:$0x3FC4]  }
0x96: {  	s8 =	sld [smem:$0x3FC3]  }
0x97: {  	s9 =	sld [smem:$0x3FC2]  }
0x98: {  	s10 =	sld [smem:$0x3FC1]  }
0x99: {  	s11 =	sld [smem:$0x3FC0]  }
0x9a: {  	s12 =	sld [smem:$0x3FD0];
	(tm) =	ssettm $0x1  }
0x9b: {  	s13 =	sld [smem:$0x3FFB];
	_ =	sdelay $0x3  }
0x9c: {  	_ =	strace s13  }
0x9d: {  	s13 =	sld [smem:$0x3FFC];
	_ =	sdelay $0x3  }
0x9e: {  	_ =	strace s13  }
0x9f: {  	s13 =	sld [smem:$0x3FFD];
	_ =	sdelay $0x3  }
0xa0: {  	_ =	strace s13  }
0xa1: {  	_ =	strace $0x8FFFFFFF  }
0xa2: {  	s20 =	sld [smem:$0x3FDB];
	_ =	sdelay $0x1  }
0xa3: {  	s14 =	simm.s32 $_scs_section_size  }
0xa4: {  	s15 =	simm.s32 $_size__tile_overlayer_lowered;
	s16 =	simm.s32 $_tile_overlayer_lowered  }
0xa5: {  	s23 =	simm.s32 $0x1BFF;
	s22 =	sshll.u32 s16, $0x1;
	s13 =	sadd.s32 s14, s20  }
0xa6: {  	s17 =	simm.s32 $0x0;
	s21 =	sshll.u32 s15, $0x1;
	s15 =	sadd.s32 s22, s13  }
0xa7: {  	[timem:s17], [sflag:s23] =	dma.local [hbm:s15], s21  }
0xa8: {  	_ =	swait.ge [sflag:s23], s21  }
0xa9: {  	s14 =	ssub.s32 $0x0, s21;
	[sflag:s23] =	ssyncset.done $0x0  }
0xaa: {  	[sflag:s23] =	ssyncadd.s32 s14;
	_ =	sdelay $0x1  }
0xab: {  	s24 =	simm.s32 $0x1B8B  }
0xac: {  	_ =	swait.ge [sflag:s24], $0x1  }
0xad: {  	[sflag:s24] =	ssyncset.done $0x0  }
0xae: {  	s25 =	simm.s32 $0x1B8E;
	[sflag:s24] =	ssyncadd.s32 $0xFFFFFFFF  }
0xaf: {  	s26 =	simm.s32 $execute0_lowered;
	[smem:$0x3FD2] =	sst s25  }
0xb0: {  	s14 =	sshll.u32 s26, $0x1;
	_ =	strace $0x80000046;
	[dreg:$0x1] =	wrdreg $0xFFFFFFFF  }
0xb1: {  	s28 =	simm.s32 $_size_execute0_lowered;
	s13 =	sadd.s32 s13, s14;
	[dreg:$0x0] =	wrdreg $0x0  }
0xb2: {  	s14 =	sshll.u32 s28, $0x1;
	[dreg:$0x2] =	wrdreg s13  }
0xb3: {  	[dreg:$0x3] =	wrdreg s14  }
0xb4: {  	[dreg:$0x4] =	wrdreg $0xC0  }
0xb5: {  	_ =	task [dreg:s17], $0x5FFFF  }
0xb6: {  	[dreg:$0x1] =	wrdreg $0xFFFFFFFF  }
0xb7: {  	[dreg:$0x0] =	wrdreg $0x60  }
0xb8: {  	[dreg:$0x2] =	wrdreg s2  }
0xb9: {  	[dreg:$0x3] =	wrdreg s19  }
0xba: {  	[dreg:$0x4] =	wrdreg s4  }
0xbb: {  	[dreg:$0x5] =	wrdreg s5  }
0xbc: {  	[dreg:$0x6] =	wrdreg s6  }
0xbd: {  	[dreg:$0x7] =	wrdreg s7  }
0xbe: {  	[dreg:$0x8] =	wrdreg s8  }
0xbf: {  	[dreg:$0x9] =	wrdreg s9  }
0xc0: {  	[dreg:$0xa] =	wrdreg s10  }
0xc1: {  	[dreg:$0xb] =	wrdreg s11  }
0xc2: {  	[dreg:$0xc] =	wrdreg s12  }
0xc3: {  	[dreg:$0xd] =	wrdreg $0x182800  }
0xc4: {  	[dreg:$0xe] =	wrdreg $0x19AF00  }
0xc5: {  	[dreg:$0xf] =	wrdreg $0x9  }
0xc6: {  	_ =	task.clear_ibuf [dreg:s17], $0x10FFFF;
	_ =	strace $0x90000046  }
0xc7: {  	s29 =	simm.s32 $0x9;
	_ =	strace $0x80000048  }
0xc8: {  	_ =	swait.ge [sflag:s29], $0x1  }
0xc9: {  	[sflag:s29] =	ssyncadd.s32 $0xFFFFFFFF  }
0xca: {  	_ =	strace $0x90000048  }
0xcb: {  	_ =	sfence  }
0xcc: {  	s30 =	sld [smem:$0x0];
	_ =	sdelay $0x2  }
0xcd: {  	s31 =	sshll.u32 s1, $0xD;
	s1 =	sshrl.u32 s1, $0x2  }
0xce: {  	s3 =	sand.u32 $0x4000, s31;
	s1 =	sadd.s32 s1, s30  }
0xcf: {  	s0 =	sor.u32 s3, s0;
	s1 =	sshll.u32 s1, $0x11  }
0xd0: {  	s0 =	sor.u32 s1, s0  }
0xd1: {  	s0 =	sadd.s32 $0x8F2B, s0  }
0xd2: {  	[sflag:s0] =	ssyncadd.remote.s32 $0x1  }
0xd3: {  	_ =	sfence.sel $0xFFFF  }
0xd4: {  	[dreg:$0x0] =	wrdreg $0xFFFFFFFF;
	(pc) =	sbr.abs _section_cstart, $3  }
0xd5: {  	[dreg:$0x1] =	wrdreg $0xFFFFFFFF  }
0xd6: {  	_ =	task.clear_ibuf [dreg:s17], $0x2FFFF;
	_ =	strace $0x9FFFFFFF  }
0xd7: {  	(tm) =	ssettm $0x7FFFFFFF  }
tec
execute0_lowered:
.L_overlay_start_1:
0x0: {  	(tag) =	ssettag $0x1  }
0x1: {  	s2 =	rddreg [dreg:$0x0]  }
0x2: {  	s3 =	rddreg [dreg:$0x1]  }
0x3: {  	s5 =	rddreg [dreg:$0x2]  }
0x4: {  	s7 =	rddreg [dreg:$0x3]  }
0x5: {  	s1 =	rddreg [dreg:$0x5]  }
0x6: {  	s4 =	rddreg [dreg:$0x8]  }
0x7: {  	s6 =	rddreg [dreg:$0x9]  }
0x8: {  	s8 =	rddreg [dreg:$0xa]  }
0x9: {  	s0 =	rddreg [dreg:$0xb]  }
0xa: {  	s17 =	rddreg [dreg:$0xc]  }
0xb: {  	s9 =	srdreg.scid;
	s16 =	stileid.u32  }
0xc: {  	s21 =	simm.s32 $0x3;
	s22 =	simm.s32 $0x40;
	s28 =	simm.s32 $0x1  }
0xd: {  	s18 =	simm.s32 $0x2;
	s25 =	simm.s32 $0x6;
	s26 =	simm.s32 $0x0  }
0xe: {  	s10 =	sand.u32 $0x1, s9;
	s9 =	simm.s32 $0x0;
	s11 =	sshll.u32 s16, $0x8  }
0xf: {  	p0 =	sne.s32 s16, $0x0;
	s16 =	simm.s32 $0x80;
	s12 =	sshll.u32 s10, $0x7  }
0x10: {  	[smem:$0x7FF] =	sst s9;
	s10 =	ssub.s32 $0x2, s10;
	s19 =	sshrl.u32 @!p0 s0, $0x3  }
0x11: {  	s20 =	sshrl.u32 @!p0 s17, $0x3;
	s17 =	simm.s32 $0x18200;
	s11 =	sor.u32 s12, s11  }
0x12: {  	_ =	strace $0x80000047;
	s30 =	sshrl.u32 s10, $0x1;
	s14 =	sshrl.u32 s11, $0x3  }
0x13: {  	s15 =	ssub.s32 s10, s30;
	s31 =	sshll.u32 s11, $0x4;
	s10 =	sadd.s32 s2, s14  }
0x14: {  	s11 =	sadd.s32 s3, s14;
	s12 =	sadd.s32 s5, s31;
	s13 =	sadd.s32 s7, s31  }
0x15: {  	vm0 =	vcmask $0x3F3C;
	s14 =	sadd.s32 s8, s14;
	s15 =	smax.u32 s15, $0x1;
	s3 =	simm.s32 $0x4  }
.LBB2_1:
0x16: {  	[tilespmem:s9], [sflag:$0x3] =	stream.linear.gather [hbm4b:s10+s9], $0x80, $0x38;
	[tilespmem:$0x1B360] =	vst v63  }
0x17: {  	_ = 	snop  }
0x18: {  	[tilespmem:s16], [sflag:$0x3] =	stream.linear.gather [hbm4b:s11+s9], $0x80, $0x38;
	[tilespmem:$0x1B360] =	vst v63  }
0x19: {  	s0 =	simm.s32 $0x10100  }
0x1a: {  	[tilespmem:s0], [sflag:$0x4] =	stream.linear.gather [hbm4b:s12+s9], $0x4000, $0x38;
	[tilespmem:$0x1B360] =	vst v63  }
0x1b: {  	s5 =	simm.s32 $0x14100;
	s2 =	simm.s32 @!p0 $0x1C05;
	s0 =	rddreg [dreg:$0x6]  }
0x1c: {  	[tilespmem:s5], [sflag:$0x4] =	stream.linear.gather [hbm4b:s13+s9], $0x4000, $0x38;
	[tilespmem:$0x1B360] =	vst v63  }
0x1d: {  	[spmem:s19], [sflag:s2] =	dma.local @!p0 [hbm:s0], $0x30E0  }
0x1e: {  	s0 =	rddreg [dreg:$0x7]  }
0x1f: {  	[spmem:s20], [sflag:s2] =	dma.local @!p0 [hbm:s0], $0x30E0  }
0x20: {  	_ =	swait.ge [sflag:s21], $0x80  }
0x21: {  	[sflag:s21] =	ssyncset.done $0x0  }
0x22: {  	[sflag:s21] =	ssyncadd.s32 $0xFFFFFF80  }
0x23: {  	_ =	swait.ge [sflag:s21], $0x80  }
0x24: {  	[sflag:s21] =	ssyncset.done $0x0  }
0x25: {  	[sflag:s21] =	ssyncadd.s32 $0xFFFFFF80  }
0x26: {  	s7 =	simm.s32 $0x100;
	s0 =	rddreg [dreg:$0x4]  }
0x27: {  	[tilespmem:s7], [sflag:$0x1] =	stream.indirect.gather [hbm4b:s0+s22], $0x80, s9, s22, $0xb8;
	[tilespmem:$0x1B360] =	vst v63  }
0x28: {  	s8 =	simm.s32 $0x4100  }
0x29: {  	[tilespmem:s8], [sflag:$0x1] =	stream.indirect.gather [hbm4b:s1+s22], $0x80, s16, s22, $0xb8;
	[tilespmem:$0x1B360] =	vst v63  }
0x2a: {  	s23 =	simm.s32 $0x8100  }
0x2b: {  	[tilespmem:s23], [sflag:$0x1] =	stream.indirect.gather [hbm4b:s4+s22], $0x80, s9, s22, $0xb8;
	[tilespmem:$0x1B360] =	vst v63  }
0x2c: {  	s24 =	simm.s32 $0xC100  }
0x2d: {  	[tilespmem:s24], [sflag:$0x1] =	stream.indirect.gather [hbm4b:s6+s22], $0x80, s9, s22, $0xb8;
	[tilespmem:$0x1B360] =	vst v63  }
0x2e: {  	_ =	swait.ge [sflag:s28], $0x2000  }
0x2f: {  	[sflag:s28] =	ssyncset.done $0x0  }
0x30: {  	[sflag:s28] =	ssyncadd.s32 $0xFFFFE000  }
0x31: {  	_ =	swait.ge [sflag:s28], $0x2000  }
0x32: {  	[sflag:s28] =	ssyncset.done $0x0  }
0x33: {  	[sflag:s28] =	ssyncadd.s32 $0xFFFFE000  }
0x34: {  	_ =	swait.ge [sflag:s28], $0x2000  }
0x35: {  	[sflag:s28] =	ssyncset.done $0x0  }
0x36: {  	[sflag:s28] =	ssyncadd.s32 $0xFFFFE000  }
0x37: {  	_ =	swait.ge [sflag:s28], $0x2000  }
0x38: {  	[sflag:s28] =	ssyncset.done $0x0  }
0x39: {  	s5 =	simm.s32 $0x2100;
	[sflag:s28] =	ssyncadd.s32 $0xFFFFE000  }
0x3a: {  	[tilespmem:s5], [sflag:$0x2] =	stream.indirect.gather [hbm4b:s0+s22], $0x80, s22, s22, $0xb8;
	[tilespmem:$0x1B360] =	vst v63  }
0x3b: {  	s7 =	simm.s32 $0xC0;
	s8 =	simm.s32 $0x6100  }
0x3c: {  	[tilespmem:s8], [sflag:$0x2] =	stream.indirect.gather [hbm4b:s1+s22], $0x80, s7, s22, $0xb8;
	[tilespmem:$0x1B360] =	vst v63  }
0x3d: {  	s23 =	simm.s32 $0xA100  }
0x3e: {  	[tilespmem:s23], [sflag:$0x2] =	stream.indirect.gather [hbm4b:s4+s22], $0x80, s22, s22, $0xb8;
	[tilespmem:$0x1B360] =	vst v63  }
0x3f: {  	s24 =	simm.s32 $0xE100  }
0x40: {  	[tilespmem:s24], [sflag:$0x2] =	stream.indirect.gather [hbm4b:s6+s22], $0x80, s22, s22, $0xb8;
	[tilespmem:$0x1B360] =	vst v63  }
0x41: {  	_ =	swait.ge [sflag:s3], $0x4000  }
0x42: {  	[sflag:s3] =	ssyncset.done $0x0  }
0x43: {  	[sflag:s3] =	ssyncadd.s32 $0xFFFFC000  }
0x44: {  	_ =	swait.ge [sflag:s3], $0x4000  }
0x45: {  	[sflag:s3] =	ssyncset.done $0x0  }
0x46: {  	s23 =	simm.s32 $0x180;
	[sflag:s3] =	ssyncadd.s32 $0xFFFFC000  }
0x47: {  	s7 =	simm.s32 $0x4180;
	v0 =	vld [tilespmem:s23+$0x0]  }
0x48: {  	s8 =	simm.s32 $0x8180;
	v1 =	vld [tilespmem:s7+$0x0]  }
0x49: {  	s5 =	simm.s32 $0x10180;
	v2 =	vld [tilespmem:s8+$0x0]  }
0x4a: {  	s0 =	simm.s32 $0xC180;
	v3 =	vld [tilespmem:s5+$0x0]  }
0x4b: {  	s30 =	simm.s32 $0x14180;
	v4 =	vld [tilespmem:s0+$0x0]  }
0x4c: {  	v5 =	vld [tilespmem:s30+$0x0]  }
0x4d: {  	v6 =	vld [tilespmem:s23+$0x10]  }
0x4e: {  	v7 =	vld [tilespmem:s7+$0x10]  }
0x4f: {  	v8 =	vld [tilespmem:s8+$0x10]  }
0x50: {  	v9 =	vld [tilespmem:s5+$0x10]  }
0x51: {  	v10 =	vld [tilespmem:s0+$0x10]  }
0x52: {  	v11 =	vld [tilespmem:s30+$0x10]  }
0x53: {  	v12 =	vld [tilespmem:s23+$0x20]  }
0x54: {  	v13 =	vld [tilespmem:s7+$0x20]  }
0x55: {  	v14 =	vld [tilespmem:s8+$0x20]  }
0x56: {  	v15 =	vld [tilespmem:s5+$0x20]  }
0x57: {  	v16 =	vld [tilespmem:s0+$0x20]  }
0x58: {  	v17 =	vld [tilespmem:s30+$0x20]  }
0x59: {  	v18 =	vld [tilespmem:s23+$0x30]  }
0x5a: {  	v19 =	vld [tilespmem:s7+$0x30]  }
0x5b: {  	v20 =	vld [tilespmem:s8+$0x30]  }
0x5c: {  	v21 =	vld [tilespmem:s5+$0x30]  }
0x5d: {  	v22 =	vld [tilespmem:s0+$0x30]  }
0x5e: {  	v23 =	vld [tilespmem:s30+$0x30]  }
0x5f: {  	v24 =	vld [tilespmem:s23+$0x40]  }
0x60: {  	v25 =	vld [tilespmem:s7+$0x40]  }
0x61: {  	v26 =	vld [tilespmem:s8+$0x40]  }
0x62: {  	v27 =	vld [tilespmem:s5+$0x40]  }
0x63: {  	v28 =	vld [tilespmem:s0+$0x40]  }
0x64: {  	v29 =	vld [tilespmem:s30+$0x40]  }
0x65: {  	v30 =	vld [tilespmem:s23+$0x50]  }
0x66: {  	v31 =	vld [tilespmem:s7+$0x50]  }
0x67: {  	v32 =	vld [tilespmem:s8+$0x50]  }
0x68: {  	v33 =	vld [tilespmem:s5+$0x50]  }
0x69: {  	v34 =	vld [tilespmem:s0+$0x50]  }
0x6a: {  	v35 =	vld [tilespmem:s30+$0x50]  }
0x6b: {  	v36 =	vld [tilespmem:s23+$0x60]  }
0x6c: {  	v37 =	vld [tilespmem:s7+$0x60]  }
0x6d: {  	v38 =	vld [tilespmem:s8+$0x60]  }
0x6e: {  	v39 =	vld [tilespmem:s5+$0x60];
	v0 =	vmul.f32 v1, v0;
	v1 =	vmul.f32 v3, v2  }
0x6f: {  	v59 =	vld [tilespmem:s8+$0x70]  }
0x70: {  	v60 =	vld [tilespmem:s5+$0x70];
	v0 =	vadd.f32 v1, v0;
	v1 =	vmul.f32 v5, v4  }
0x71: {  	v61 =	vld [tilespmem:s0+$0x70]  }
0x72: {  	v63 =	vld [tilespmem:s7+$0xFFFFFF80];
	v0 =	vadd.f32 v1, v0;
	v1 =	vmul.f32 v7, v6  }
0x73: {  	v40 =	vld [tilespmem:s8+$0xFFFFFF80]  }
0x74: {  	v41 =	vld [tilespmem:s8+$0xFFFFFF90];
	v0 =	vadd.f32 v1, v0;
	v1 =	vmul.f32 v9, v8  }
0x75: {  	v45 =	vld [tilespmem:s0+$0xFFFFFFA0]  }
0x76: {  	v50 =	vld [tilespmem:s23+$0xFFFFFFC0];
	v0 =	vadd.f32 v1, v0;
	v1 =	vmul.f32 v11, v10  }
0x77: {  	v55 =	vld [tilespmem:s7+$0xFFFFFFD0]  }
0x78: {  	v2 =	vld [tilespmem:s0+$0x60];
	v0 =	vadd.f32 v1, v0;
	v1 =	vmul.f32 v13, v12  }
0x79: {  	v12 =	vld [tilespmem:s5+$0xFFFFFF80]  }
0x7a: {  	v13 =	vld [tilespmem:s23+$0xFFFFFF80];
	v0 =	vadd.f32 v1, v0;
	v1 =	vmul.f32 v15, v14  }
0x7b: {  	v14 =	vld [tilespmem:s0+$0xFFFFFF80]  }
0x7c: {  	v15 =	vld [tilespmem:s30+$0xFFFFFF80];
	v0 =	vadd.f32 v1, v0;
	v1 =	vmul.f32 v17, v16  }
0x7d: {  	v16 =	vld [tilespmem:s23+$0xFFFFFF90]  }
0x7e: {  	v17 =	vld [tilespmem:s7+$0xFFFFFF90];
	v0 =	vadd.f32 v1, v0;
	v1 =	vmul.f32 v19, v18  }
0x7f: {  	v3 =	vld [tilespmem:s30+$0x60];
	v11 =	vmul.f32 v12, v40;
	v10 =	vmul.f32 v63, v13  }
0x80: {  	v12 =	vld [tilespmem:s5+$0xFFFFFF90];
	v0 =	vadd.f32 v1, v0;
	v1 =	vmul.f32 v21, v20  }
0x81: {  	v13 =	vld [tilespmem:s0+$0xFFFFFF90];
	v10 =	vadd.f32 v11, v10;
	v42 =	vmul.f32 v15, v14  }
0x82: {  	v14 =	vld [tilespmem:s30+$0xFFFFFF90];
	v0 =	vadd.f32 v1, v0;
	v1 =	vmul.f32 v23, v22  }
0x83: {  	v15 =	vld [tilespmem:s23+$0xFFFFFFA0];
	v10 =	vadd.f32 v42, v10;
	v43 =	vmul.f32 v17, v16  }
0x84: {  	v16 =	vld [tilespmem:s7+$0xFFFFFFA0];
	v0 =	vadd.f32 v1, v0;
	v1 =	vmul.f32 v25, v24  }
0x85: {  	v17 =	vld [tilespmem:s8+$0xFFFFFFA0];
	v44 =	vmul.f32 v12, v41;
	v10 =	vadd.f32 v43, v10  }
0x86: {  	v12 =	vld [tilespmem:s5+$0xFFFFFFA0];
	v0 =	vadd.f32 v1, v0;
	v1 =	vmul.f32 v27, v26  }
0x87: {  	v4 =	vld [tilespmem:s23+$0x70];
	v46 =	vmul.f32 v14, v13;
	v10 =	vadd.f32 v44, v10  }
0x88: {  	v13 =	vld [tilespmem:s30+$0xFFFFFFA0];
	v0 =	vadd.f32 v1, v0;
	v1 =	vmul.f32 v29, v28  }
0x89: {  	v14 =	vld [tilespmem:s23+$0xFFFFFFB0];
	v47 =	vmul.f32 v16, v15;
	v10 =	vadd.f32 v46, v10  }
0x8a: {  	v15 =	vld [tilespmem:s7+$0xFFFFFFB0];
	v0 =	vadd.f32 v1, v0;
	v1 =	vmul.f32 v31, v30  }
0x8b: {  	v16 =	vld [tilespmem:s8+$0xFFFFFFB0];
	v48 =	vmul.f32 v12, v17;
	v10 =	vadd.f32 v47, v10  }
0x8c: {  	v12 =	vld [tilespmem:s5+$0xFFFFFFB0];
	v0 =	vadd.f32 v1, v0;
	v1 =	vmul.f32 v33, v32  }
0x8d: {  	v17 =	vld [tilespmem:s0+$0xFFFFFFB0];
	v49 =	vmul.f32 v13, v45;
	v10 =	vadd.f32 v48, v10  }
0x8e: {  	v13 =	vld [tilespmem:s30+$0xFFFFFFB0];
	v0 =	vadd.f32 v1, v0;
	v1 =	vmul.f32 v35, v34  }
0x8f: {  	v5 =	vld [tilespmem:s7+$0x70];
	v51 =	vmul.f32 v15, v14;
	v10 =	vadd.f32 v49, v10  }
0x90: {  	v14 =	vld [tilespmem:s7+$0xFFFFFFC0];
	v0 =	vadd.f32 v1, v0;
	v1 =	vmul.f32 v37, v36  }
0x91: {  	v15 =	vld [tilespmem:s8+$0xFFFFFFC0];
	v52 =	vmul.f32 v12, v16;
	v10 =	vadd.f32 v51, v10  }
0x92: {  	v12 =	vld [tilespmem:s5+$0xFFFFFFC0];
	v0 =	vadd.f32 v1, v0;
	v1 =	vmul.f32 v39, v38  }
0x93: {  	v16 =	vld [tilespmem:s0+$0xFFFFFFC0];
	v53 =	vmul.f32 v13, v17;
	v10 =	vadd.f32 v52, v10  }
0x94: {  	v13 =	vld [tilespmem:s30+$0xFFFFFFC0];
	v0 =	vadd.f32 v1, v0;
	v1 =	vmul.f32 v3, v2  }
0x95: {  	v54 =	vmul.f32 v14, v50;
	v2 =	vld [tilespmem:s23+$0xFFFFFFD0];
	v3 =	vadd.f32 v53, v10  }
0x96: {  	v62 =	vld [tilespmem:s30+$0x70];
	v0 =	vadd.f32 v1, v0;
	v1 =	vmul.f32 v5, v4  }
0x97: {  	v56 =	vld [tilespmem:s5+$0xFFFFFFD0];
	v3 =	vadd.f32 v54, v3;
	v5 =	vmul.f32 v12, v15  }
0x98: {  	v4 =	vld [tilespmem:s8+$0xFFFFFFD0];
	v0 =	vadd.f32 v1, v0  }
0x99: {  	v57 =	vld [tilespmem:s0+$0xFFFFFFD0];
	v1 =	vmul.f32 v60, v59;
	v3 =	vadd.f32 v5, v3;
	v5 =	vmul.f32 v13, v16  }
0x9a: {  	v58 =	vld [tilespmem:s30+$0xFFFFFFD0];
	v2 =	vmul.f32 v55, v2  }
0x9b: {  	v59 =	vld [tilespmem:s23+$0xFFFFFFE0];
	v0 =	vadd.f32 v1, v0;
	v1 =	vmul.f32 v62, v61;
	v3 =	vadd.f32 v5, v3  }
0x9c: {  	v5 =	vld [tilespmem:s7+$0xFFFFFFE0]  }
0x9d: {  	v0 =	vadd.f32 v1, v0;
	v1 =	vld [tilespmem:s8+$0xFFFFFFE0];
	v2 =	vadd.f32 v2, v3;
	v3 =	vmul.f32 v56, v4  }
0x9e: {  	v4 =	vld [tilespmem:s5+$0xFFFFFFE0]  }
0x9f: {  	v60 =	vld [tilespmem:s0+$0xFFFFFFE0];
	(xrf2) =	vadd.scan.msk.f32 $0xffff, v0;
	v0 =	vadd.f32 v3, v2;
	v2 =	vmul.f32 v58, v57  }
0xa0: {  	v3 =	vld [tilespmem:s30+$0xFFFFFFE0]  }
0xa1: {  	v61 =	vld [tilespmem:s23+$0xFFFFFFF0];
	v0 =	vadd.f32 v2, v0;
	v2 =	vmul.f32 v5, v59  }
0xa2: {  	v5 =	vld [tilespmem:s7+$0xFFFFFFF0]  }
0xa3: {  	v62 =	vld [tilespmem:s8+$0xFFFFFFF0];
	v1 =	vmul.f32 v4, v1;
	v2 =	vadd.f32 v2, v0  }
0xa4: {  	s24 =	simm.s32 $0x1;
	v4 =	vld [tilespmem:s5+$0xFFFFFFF0]  }
0xa5: {  	v63 =	vmov s24;
	v0 =	vld [tilespmem:s0+$0xFFFFFFF0];
	v3 =	vmul.f32 v3, v60;
	v2 =	vadd.f32 v1, v2  }
0xa6: {  	s2 =	simm.s32 $0x280;
	v1 =	vld [tilespmem:s30+$0xFFFFFFF0]  }
0xa7: {  	s24 =	simm.s32 $0x10280;
	v12 =	vld [tilespmem:s2+$0x0];
	v2 =	vadd.f32 v3, v2;
	v3 =	vmul.f32 v5, v61  }
0xa8: {  	v15 =	vld [tilespmem:s24+$0x0];
	s23 =	simm.s32 $0x8280  }
0xa9: {  	s29 =	simm.s32 $0x2;
	v14 =	vld [tilespmem:s23+$0x0];
	s5 =	simm.s32 $0x4280;
	v5, _, _ =	vpop (xrf2);
	v2 =	vadd.f32 v3, v2;
	v3 =	vmul.f32 v4, v62  }
0xaa: {  	s31 =	simm.s32 $0x0;
	s8 =	simm.s32 $0x4;
	s7 =	simm.s32 $0xC280;
	v13 =	vld [tilespmem:s5+$0x0];
	[tilespmem:v63+s17+$0x0] =	vst.idx.msk vm0, v5  }
.LBB2_2:
0xab: {  	p1 =	slt.u32 s8, $0x3E;
	v4 =	vld [tilespmem:s7+$0x0];
	v2 =	vadd.f32 v3, v2;
	v0 =	vmul.f32 v1, v0;
	s30 =	sadd.s32 $0x100, s30  }
0xac: {  	v1 =	vld [tilespmem:s30+$0x0]  }
0xad: {  	v3 =	vld [tilespmem:s2+$0x10];
	v0 =	vadd.f32 v0, v2  }
0xae: {  	v2 =	vld [tilespmem:s5+$0x10]  }
0xaf: {  	v5 =	vmul.f32 v13, v12;
	v6 =	vmul.f32 v15, v14;
	v7 =	vld [tilespmem:s23+$0x10];
	(xrf2) =	vadd.scan.msk.f32 $0xffff, v0  }
0xb0: {  	v0 =	vld [tilespmem:s24+$0x10]  }
0xb1: {  	v5 =	vadd.f32 v6, v5;
	v1 =	vmul.f32 v1, v4;
	v4 =	vld [tilespmem:s7+$0x10]  }
0xb2: {  	v8 =	vmov s31;
	s31 =	smov.u32 s29;
	s29 =	smov.u32 s8;
	v6 =	vld [tilespmem:s30+$0x10]  }
0xb3: {  	v1 =	vadd.f32 v1, v5;
	v2 =	vmul.f32 v2, v3;
	v3 =	vld [tilespmem:s2+$0x20];
	v5 =	vand.u32 $0xFFFFFFFE, v8  }
0xb4: {  	v8 =	vld [tilespmem:s5+$0x20];
	v5 =	vbroadcast v5, $0x0  }
0xb5: {  	v1 =	vadd.f32 v2, v1;
	v0 =	vmul.f32 v0, v7;
	v2 =	vld [tilespmem:s23+$0x20]  }
0xb6: {  	v7 =	vld [tilespmem:s24+$0x20]  }
0xb7: {  	v0 =	vadd.f32 v0, v1;
	v1 =	vmul.f32 v6, v4;
	v4 =	vld [tilespmem:s7+$0x20]  }
0xb8: {  	v6 =	vld [tilespmem:s30+$0x20]  }
0xb9: {  	v0 =	vadd.f32 v1, v0;
	v1 =	vmul.f32 v8, v3;
	v3 =	vld [tilespmem:s2+$0x30];
	v8, _, _ =	vpop (xrf2)  }
0xba: {  	v9 =	vld [tilespmem:s5+$0x30];
	[tilespmem:v5+s17+$0x0] =	vst.idx.msk vm0, v8  }
0xbb: {  	v0 =	vadd.f32 v1, v0;
	v1 =	vmul.f32 v7, v2;
	v2 =	vld [tilespmem:s23+$0x30]  }
0xbc: {  	v5 =	vld [tilespmem:s24+$0x30]  }
0xbd: {  	v0 =	vadd.f32 v1, v0;
	v1 =	vmul.f32 v6, v4;
	v4 =	vld [tilespmem:s7+$0x30]  }
0xbe: {  	v6 =	vld [tilespmem:s30+$0x30]  }
0xbf: {  	v0 =	vadd.f32 v1, v0;
	v1 =	vmul.f32 v9, v3;
	v3 =	vld [tilespmem:s2+$0x40]  }
0xc0: {  	v7 =	vld [tilespmem:s5+$0x40]  }
0xc1: {  	v0 =	vadd.f32 v1, v0;
	v1 =	vmul.f32 v5, v2;
	v2 =	vld [tilespmem:s23+$0x40]  }
0xc2: {  	v5 =	vld [tilespmem:s24+$0x40]  }
0xc3: {  	v0 =	vadd.f32 v1, v0;
	v1 =	vmul.f32 v6, v4;
	v4 =	vld [tilespmem:s7+$0x40]  }
0xc4: {  	v6 =	vld [tilespmem:s30+$0x40]  }
0xc5: {  	v0 =	vadd.f32 v1, v0;
	v1 =	vmul.f32 v7, v3;
	v3 =	vld [tilespmem:s2+$0x50]  }
0xc6: {  	v7 =	vld [tilespmem:s5+$0x50]  }
0xc7: {  	v0 =	vadd.f32 v1, v0;
	v1 =	vmul.f32 v5, v2;
	v2 =	vld [tilespmem:s23+$0x50]  }
0xc8: {  	v5 =	vld [tilespmem:s24+$0x50]  }
0xc9: {  	v0 =	vadd.f32 v1, v0;
	v1 =	vmul.f32 v6, v4;
	v4 =	vld [tilespmem:s7+$0x50]  }
0xca: {  	v6 =	vld [tilespmem:s30+$0x50]  }
0xcb: {  	v0 =	vadd.f32 v1, v0;
	v1 =	vmul.f32 v7, v3;
	v3 =	vld [tilespmem:s2+$0x60]  }
0xcc: {  	v7 =	vld [tilespmem:s5+$0x60]  }
0xcd: {  	v0 =	vadd.f32 v1, v0;
	v1 =	vmul.f32 v5, v2;
	v2 =	vld [tilespmem:s23+$0x60]  }
0xce: {  	v5 =	vld [tilespmem:s24+$0x60]  }
0xcf: {  	v0 =	vadd.f32 v1, v0;
	v1 =	vmul.f32 v6, v4;
	v4 =	vld [tilespmem:s7+$0x60]  }
0xd0: {  	v6 =	vld [tilespmem:s30+$0x60]  }
0xd1: {  	v0 =	vadd.f32 v1, v0;
	v1 =	vmul.f32 v7, v3;
	v3 =	vld [tilespmem:s2+$0x70]  }
0xd2: {  	v7 =	vld [tilespmem:s5+$0x70]  }
0xd3: {  	v0 =	vadd.f32 v1, v0;
	v1 =	vmul.f32 v5, v2;
	v2 =	vld [tilespmem:s23+$0x70]  }
0xd4: {  	v5 =	vld [tilespmem:s24+$0x70]  }
0xd5: {  	v0 =	vadd.f32 v1, v0;
	v1 =	vmul.f32 v6, v4;
	v4 =	vld [tilespmem:s7+$0x70]  }
0xd6: {  	v6 =	vld [tilespmem:s30+$0x70]  }
0xd7: {  	v8 =	vld [tilespmem:s5+$0xFFFFFF80];
	v0 =	vadd.f32 v1, v0;
	v1 =	vmul.f32 v7, v3  }
0xd8: {  	v3 =	vld [tilespmem:s23+$0xFFFFFF80]  }
0xd9: {  	v7 =	vld [tilespmem:s24+$0xFFFFFF80];
	v0 =	vadd.f32 v1, v0;
	v1 =	vmul.f32 v5, v2  }
0xda: {  	v2 =	vld [tilespmem:s2+$0xFFFFFF80]  }
0xdb: {  	v5 =	vld [tilespmem:s7+$0xFFFFFF80];
	v0 =	vadd.f32 v1, v0;
	v1 =	vmul.f32 v6, v4  }
0xdc: {  	v4 =	vld [tilespmem:s30+$0xFFFFFF80]  }
0xdd: {  	v6 =	vld [tilespmem:s2+$0xFFFFFF90];
	v0 =	vadd.f32 v1, v0  }
0xde: {  	v1 =	vmul.f32 v7, v3;
	v3 =	vld [tilespmem:s5+$0xFFFFFF90]  }
0xdf: {  	v2 =	vmul.f32 v8, v2;
	v7 =	vld [tilespmem:s23+$0xFFFFFF90];
	(xrf2) =	vadd.scan.msk.f32 $0xffff, v0  }
0xe0: {  	v0 =	vld [tilespmem:s24+$0xFFFFFF90]  }
0xe1: {  	v1 =	vadd.f32 v1, v2;
	v2 =	vmul.f32 v4, v5;
	v4 =	vld [tilespmem:s7+$0xFFFFFF90]  }
0xe2: {  	v5 =	vld [tilespmem:s30+$0xFFFFFF90]  }
0xe3: {  	v1 =	vadd.f32 v2, v1;
	v2 =	vmul.f32 v3, v6;
	v3 =	vld [tilespmem:s2+$0xFFFFFFA0]  }
0xe4: {  	s0 =	sadd.s32 $0x1, s31;
	v6 =	vld [tilespmem:s5+$0xFFFFFFA0]  }
0xe5: {  	v1 =	vadd.f32 v2, v1;
	v0 =	vmul.f32 v0, v7;
	v2 =	vld [tilespmem:s23+$0xFFFFFFA0];
	v7 =	vmov s0  }
0xe6: {  	v8 =	vld [tilespmem:s24+$0xFFFFFFA0]  }
0xe7: {  	v0 =	vadd.f32 v0, v1;
	v1 =	vmul.f32 v5, v4;
	v4 =	vld [tilespmem:s7+$0xFFFFFFA0]  }
0xe8: {  	v5 =	vld [tilespmem:s30+$0xFFFFFFA0]  }
0xe9: {  	v0 =	vadd.f32 v1, v0;
	v1 =	vmul.f32 v6, v3;
	v3 =	vld [tilespmem:s2+$0xFFFFFFB0];
	v6, _, _ =	vpop (xrf2)  }
0xea: {  	v9 =	vld [tilespmem:s5+$0xFFFFFFB0];
	[tilespmem:v7+s17+$0x0] =	vst.idx.msk vm0, v6  }
0xeb: {  	v0 =	vadd.f32 v1, v0;
	v1 =	vmul.f32 v8, v2;
	v2 =	vld [tilespmem:s23+$0xFFFFFFB0]  }
0xec: {  	v6 =	vld [tilespmem:s24+$0xFFFFFFB0]  }
0xed: {  	v0 =	vadd.f32 v1, v0;
	v1 =	vmul.f32 v5, v4;
	v4 =	vld [tilespmem:s7+$0xFFFFFFB0]  }
0xee: {  	v5 =	vld [tilespmem:s30+$0xFFFFFFB0]  }
0xef: {  	v0 =	vadd.f32 v1, v0;
	v1 =	vmul.f32 v9, v3;
	v3 =	vld [tilespmem:s2+$0xFFFFFFC0]  }
0xf0: {  	v7 =	vld [tilespmem:s5+$0xFFFFFFC0]  }
0xf1: {  	v0 =	vadd.f32 v1, v0;
	v1 =	vmul.f32 v6, v2;
	v2 =	vld [tilespmem:s23+$0xFFFFFFC0]  }
0xf2: {  	v6 =	vld [tilespmem:s24+$0xFFFFFFC0]  }
0xf3: {  	v0 =	vadd.f32 v1, v0;
	v1 =	vmul.f32 v5, v4;
	v4 =	vld [tilespmem:s7+$0xFFFFFFC0]  }
0xf4: {  	v5 =	vld [tilespmem:s30+$0xFFFFFFC0]  }
0xf5: {  	v0 =	vadd.f32 v1, v0;
	v1 =	vmul.f32 v7, v3;
	v3 =	vld [tilespmem:s2+$0xFFFFFFD0]  }
0xf6: {  	v7 =	vld [tilespmem:s5+$0xFFFFFFD0]  }
0xf7: {  	v0 =	vadd.f32 v1, v0;
	v1 =	vmul.f32 v6, v2;
	v2 =	vld [tilespmem:s23+$0xFFFFFFD0]  }
0xf8: {  	v6 =	vld [tilespmem:s24+$0xFFFFFFD0]  }
0xf9: {  	v0 =	vadd.f32 v1, v0;
	v1 =	vmul.f32 v5, v4;
	v4 =	vld [tilespmem:s7+$0xFFFFFFD0]  }
0xfa: {  	v5 =	vld [tilespmem:s30+$0xFFFFFFD0]  }
0xfb: {  	v0 =	vadd.f32 v1, v0;
	v1 =	vmul.f32 v7, v3;
	v3 =	vld [tilespmem:s2+$0xFFFFFFE0]  }
0xfc: {  	v7 =	vld [tilespmem:s5+$0xFFFFFFE0]  }
0xfd: {  	v0 =	vadd.f32 v1, v0;
	v1 =	vmul.f32 v6, v2;
	v2 =	vld [tilespmem:s23+$0xFFFFFFE0]  }
0xfe: {  	v6 =	vld [tilespmem:s24+$0xFFFFFFE0]  }
0xff: {  	v0 =	vadd.f32 v1, v0;
	v1 =	vmul.f32 v5, v4;
	v4 =	vld [tilespmem:s7+$0xFFFFFFE0]  }
0x100: {  	v5 =	vld [tilespmem:s30+$0xFFFFFFE0]  }
0x101: {  	v0 =	vadd.f32 v1, v0;
	v1 =	vmul.f32 v7, v3;
	v3 =	vld [tilespmem:s2+$0xFFFFFFF0]  }
0x102: {  	v7 =	vld [tilespmem:s5+$0xFFFFFFF0]  }
0x103: {  	v0 =	vadd.f32 v1, v0;
	v1 =	vmul.f32 v6, v2;
	v6 =	vld [tilespmem:s23+$0xFFFFFFF0]  }
0x104: {  	v8 =	vld [tilespmem:s24+$0xFFFFFFF0]  }
0x105: {  	v2 =	vadd.f32 v1, v0;
	v4 =	vmul.f32 v5, v4;
	v0 =	vld [tilespmem:s7+$0xFFFFFFF0]  }
.Ltmp0:
0x106: {  	s2 =	sadd.s32 $0x100, s2;
	v1 =	vld [tilespmem:s30+$0xFFFFFFF0];
	(pc) =	sbr.rel @p1 .LBB2_2-.Ltmp0, $4  }
0x107: {  	s5 =	sadd.s32 $0x100, s5;
	v12 =	vld [tilespmem:s2+$0x0];
	v2 =	vadd.f32 v4, v2;
	v3 =	vmul.f32 v7, v3  }
0x108: {  	s23 =	sadd.s32 $0x100, s23;
	v13 =	vld [tilespmem:s5+$0x0]  }
0x109: {  	s24 =	sadd.s32 $0x100, s24;
	v14 =	vld [tilespmem:s23+$0x0];
	v2 =	vadd.f32 v3, v2;
	v3 =	vmul.f32 v8, v6  }
0x10a: {  	s8 =	sadd.s32 $0x2, s8;
	s7 =	sadd.s32 $0x100, s7;
	v15 =	vld [tilespmem:s24+$0x0]  }
0x10b: {  	v16 =	vld [tilespmem:s7+$0x0]  }
0x10c: {  	v18 =	vld [tilespmem:s2+$0x10]  }
0x10d: {  	v19 =	vld [tilespmem:s5+$0x10]  }
0x10e: {  	v20 =	vld [tilespmem:s23+$0x10]  }
0x10f: {  	v21 =	vld [tilespmem:s24+$0x10]  }
0x110: {  	v22 =	vld [tilespmem:s7+$0x10]  }
0x111: {  	v24 =	vld [tilespmem:s2+$0x20]  }
0x112: {  	v25 =	vld [tilespmem:s5+$0x20]  }
0x113: {  	v26 =	vld [tilespmem:s23+$0x20]  }
0x114: {  	v27 =	vld [tilespmem:s24+$0x20]  }
0x115: {  	v28 =	vld [tilespmem:s7+$0x20]  }
0x116: {  	v30 =	vld [tilespmem:s2+$0x30]  }
0x117: {  	v31 =	vld [tilespmem:s5+$0x30]  }
0x118: {  	v32 =	vld [tilespmem:s23+$0x30]  }
0x119: {  	v33 =	vld [tilespmem:s24+$0x30]  }
0x11a: {  	v34 =	vld [tilespmem:s7+$0x30]  }
0x11b: {  	v36 =	vld [tilespmem:s2+$0x40]  }
0x11c: {  	v37 =	vld [tilespmem:s5+$0x40]  }
0x11d: {  	v38 =	vld [tilespmem:s23+$0x40]  }
0x11e: {  	v39 =	vld [tilespmem:s24+$0x40]  }
0x11f: {  	v40 =	vld [tilespmem:s7+$0x40]  }
0x120: {  	v42 =	vld [tilespmem:s2+$0x50]  }
0x121: {  	v43 =	vld [tilespmem:s5+$0x50]  }
0x122: {  	v44 =	vld [tilespmem:s23+$0x50]  }
0x123: {  	v45 =	vld [tilespmem:s24+$0x50]  }
0x124: {  	v46 =	vld [tilespmem:s7+$0x50]  }
0x125: {  	v48 =	vld [tilespmem:s2+$0x60]  }
0x126: {  	v49 =	vld [tilespmem:s5+$0x60]  }
0x127: {  	v50 =	vld [tilespmem:s23+$0x60]  }
0x128: {  	v51 =	vld [tilespmem:s24+$0x60]  }
0x129: {  	v10 =	vld [tilespmem:s7+$0x60]  }
0x12a: {  	v8 =	vld [tilespmem:s2+$0x70]  }
0x12b: {  	v9 =	vld [tilespmem:s5+$0x70]  }
0x12c: {  	v6 =	vld [tilespmem:s23+$0x70]  }
0x12d: {  	v7 =	vld [tilespmem:s24+$0x70]  }
0x12e: {  	v4 =	vld [tilespmem:s7+$0x70]  }
0x12f: {  	v52 =	vld [tilespmem:s5+$0xFFFFFF80]  }
0x130: {  	v53 =	vld [tilespmem:s23+$0xFFFFFF80]  }
0x131: {  	v54 =	vld [tilespmem:s24+$0xFFFFFF80]  }
0x132: {  	v55 =	vld [tilespmem:s2+$0xFFFFFF80]  }
0x133: {  	v56 =	vld [tilespmem:s7+$0xFFFFFF80]  }
0x134: {  	v58 =	vld [tilespmem:s2+$0xFFFFFF90]  }
0x135: {  	v63 =	vld [tilespmem:s23+$0xFFFFFF90]  }
0x136: {  	v59 =	vld [tilespmem:s7+$0xFFFFFF90]  }
0x137: {  	v61 =	vld [tilespmem:s5+$0xFFFFFFA0]  }
0x138: {  	s8 =	sadd.s32 $0x100, s30;
	v62 =	vld [tilespmem:s24+$0xFFFFFFA0]  }
0x139: {  	v17 =	vld [tilespmem:s8+$0x0]  }
0x13a: {  	v23 =	vld [tilespmem:s8+$0x10]  }
0x13b: {  	v29 =	vld [tilespmem:s8+$0x20]  }
0x13c: {  	v57 =	vld [tilespmem:s8+$0xFFFFFF80]  }
0x13d: {  	v35 =	vld [tilespmem:s8+$0x30]  }
0x13e: {  	v12 =	vmul.f32 v13, v12;
	v13 =	vmul.f32 v15, v14;
	v14 =	vld [tilespmem:s5+$0xFFFFFF90]  }
0x13f: {  	v41 =	vld [tilespmem:s8+$0x40];
	v15 =	vmul.f32 v54, v53;
	v52 =	vmul.f32 v52, v55  }
0x140: {  	v12 =	vadd.f32 v13, v12;
	v13 =	vmul.f32 v17, v16;
	v16 =	vld [tilespmem:s24+$0xFFFFFF90]  }
0x141: {  	v47 =	vld [tilespmem:s8+$0x50];
	v17 =	vmul.f32 v57, v56;
	v15 =	vadd.f32 v15, v52  }
0x142: {  	v60 =	vld [tilespmem:s8+$0xFFFFFF90];
	v12 =	vadd.f32 v13, v12;
	v13 =	vmul.f32 v19, v18  }
0x143: {  	v11 =	vld [tilespmem:s8+$0x60];
	v15 =	vadd.f32 v17, v15;
	v14 =	vmul.f32 v14, v58  }
0x144: {  	v17 =	vld [tilespmem:s2+$0xFFFFFFA0];
	v12 =	vadd.f32 v13, v12;
	v13 =	vmul.f32 v21, v20  }
0x145: {  	v5 =	vld [tilespmem:s8+$0x70];
	v14 =	vadd.f32 v14, v15;
	v15 =	vmul.f32 v16, v63  }
0x146: {  	v16 =	vld [tilespmem:s23+$0xFFFFFFA0];
	v12 =	vadd.f32 v13, v12;
	v13 =	vmul.f32 v23, v22  }
0x147: {  	v63 =	vld [tilespmem:s7+$0xFFFFFFA0];
	v14 =	vadd.f32 v15, v14;
	v15 =	vmul.f32 v60, v59  }
0x148: {  	v12 =	vadd.f32 v13, v12;
	v13 =	vmul.f32 v25, v24;
	v25 =	vld [tilespmem:s8+$0xFFFFFFA0]  }
0x149: {  	v14 =	vadd.f32 v15, v14;
	v15 =	vmul.f32 v61, v17;
	v17 =	vld [tilespmem:s2+$0xFFFFFFB0]  }
0x14a: {  	v12 =	vadd.f32 v13, v12;
	v13 =	vmul.f32 v27, v26;
	v27 =	vld [tilespmem:s5+$0xFFFFFFB0]  }
0x14b: {  	v14 =	vadd.f32 v15, v14;
	v15 =	vmul.f32 v62, v16;
	v16 =	vld [tilespmem:s23+$0xFFFFFFB0]  }
0x14c: {  	v12 =	vadd.f32 v13, v12;
	v13 =	vmul.f32 v29, v28;
	v28 =	vld [tilespmem:s24+$0xFFFFFFB0]  }
0x14d: {  	v29 =	vld [tilespmem:s7+$0xFFFFFFB0];
	v14 =	vadd.f32 v15, v14;
	v15 =	vmul.f32 v25, v63  }
0x14e: {  	v12 =	vadd.f32 v13, v12;
	v13 =	vmul.f32 v31, v30;
	v31 =	vld [tilespmem:s8+$0xFFFFFFB0]  }
0x14f: {  	v14 =	vadd.f32 v15, v14;
	v15 =	vmul.f32 v27, v17;
	v17 =	vld [tilespmem:s2+$0xFFFFFFC0]  }
0x150: {  	v12 =	vadd.f32 v13, v12;
	v13 =	vmul.f32 v33, v32;
	v33 =	vld [tilespmem:s5+$0xFFFFFFC0]  }
0x151: {  	v14 =	vadd.f32 v15, v14;
	v15 =	vmul.f32 v28, v16;
	v16 =	vld [tilespmem:s23+$0xFFFFFFC0]  }
0x152: {  	v12 =	vadd.f32 v13, v12;
	v13 =	vmul.f32 v35, v34;
	v34 =	vld [tilespmem:s24+$0xFFFFFFC0]  }
0x153: {  	v35 =	vld [tilespmem:s7+$0xFFFFFFC0];
	v14 =	vadd.f32 v15, v14;
	v15 =	vmul.f32 v31, v29  }
0x154: {  	v12 =	vadd.f32 v13, v12;
	v13 =	vmul.f32 v37, v36;
	v37 =	vld [tilespmem:s8+$0xFFFFFFC0]  }
0x155: {  	v14 =	vadd.f32 v15, v14;
	v15 =	vmul.f32 v33, v17;
	v17 =	vld [tilespmem:s2+$0xFFFFFFD0]  }
0x156: {  	v12 =	vadd.f32 v13, v12;
	v13 =	vmul.f32 v39, v38;
	v39 =	vld [tilespmem:s5+$0xFFFFFFD0]  }
0x157: {  	v14 =	vadd.f32 v15, v14;
	v15 =	vmul.f32 v34, v16;
	v16 =	vld [tilespmem:s23+$0xFFFFFFD0]  }
0x158: {  	v12 =	vadd.f32 v13, v12;
	v13 =	vmul.f32 v41, v40;
	v40 =	vld [tilespmem:s24+$0xFFFFFFD0]  }
0x159: {  	v41 =	vld [tilespmem:s7+$0xFFFFFFD0];
	v14 =	vadd.f32 v15, v14;
	v15 =	vmul.f32 v37, v35  }
0x15a: {  	v12 =	vadd.f32 v13, v12;
	v13 =	vmul.f32 v43, v42;
	v43 =	vld [tilespmem:s8+$0xFFFFFFD0]  }
0x15b: {  	v14 =	vadd.f32 v15, v14;
	v15 =	vmul.f32 v39, v17;
	v17 =	vld [tilespmem:s2+$0xFFFFFFE0]  }
0x15c: {  	v12 =	vadd.f32 v13, v12;
	v13 =	vmul.f32 v45, v44;
	v45 =	vld [tilespmem:s5+$0xFFFFFFE0]  }
0x15d: {  	v52 =	vld [tilespmem:s24+$0xFFFFFFE0];
	v14 =	vadd.f32 v15, v14;
	v15 =	vmul.f32 v40, v16  }
0x15e: {  	v16 =	vld [tilespmem:s23+$0xFFFFFFE0];
	v12 =	vadd.f32 v13, v12;
	v13 =	vmul.f32 v47, v46  }
0x15f: {  	v53 =	vld [tilespmem:s7+$0xFFFFFFE0];
	v14 =	vadd.f32 v15, v14;
	v15 =	vmul.f32 v43, v41  }
0x160: {  	v54 =	vld [tilespmem:s8+$0xFFFFFFE0];
	v12 =	vadd.f32 v13, v12;
	v13 =	vmul.f32 v49, v48  }
0x161: {  	v55 =	vld [tilespmem:s5+$0xFFFFFFF0];
	v14 =	vadd.f32 v15, v14;
	v15 =	vmul.f32 v45, v17  }
0x162: {  	v17 =	vld [tilespmem:s2+$0xFFFFFFF0];
	v12 =	vadd.f32 v13, v12;
	v13 =	vmul.f32 v51, v50  }
0x163: {  	v56 =	vld [tilespmem:s24+$0xFFFFFFF0];
	v14 =	vadd.f32 v15, v14;
	v15 =	vmul.f32 v52, v16  }
0x164: {  	v10 =	vmul.f32 v11, v10;
	v16 =	vld [tilespmem:s23+$0xFFFFFFF0];
	v12 =	vadd.f32 v13, v12  }
0x165: {  	v57 =	vld [tilespmem:s8+$0xFFFFFFF0];
	v13 =	vadd.f32 v15, v14;
	v14 =	vmul.f32 v54, v53  }
0x166: {  	v8 =	vmul.f32 v9, v8;
	v15 =	vld [tilespmem:s7+$0xFFFFFFF0];
	v10 =	vadd.f32 v10, v12  }
0x167: {  	v12 =	vadd.f32 v14, v13;
	v13 =	vmul.f32 v55, v17  }
0x168: {  	v2 =	vadd.f32 v3, v2;
	v6 =	vmul.f32 v7, v6;
	v3 =	vadd.f32 v8, v10  }
0x169: {  	v0 =	vmul.f32 v1, v0;
	v58 =	vmul.f32 v56, v16;
	v1 =	vadd.f32 v13, v12  }
0x16a: {  	v4 =	vmul.f32 v5, v4;
	v3 =	vadd.f32 v6, v3  }
0x16b: {  	v0 =	vadd.f32 v0, v2;
	v2 =	vmul.f32 v57, v15;
	v1 =	vadd.f32 v58, v1  }
0x16c: {  	v3 =	vadd.f32 v4, v3  }
0x16d: {  	(xrf2) =	vadd.scan.msk.f32 $0xffff, v0;
	v0 =	vadd.f32 v2, v1  }
0x16e: {  	(xrf2) =	vadd.scan.msk.f32 $0xffff, v3  }
0x16f: {  	(xrf2) =	vadd.scan.msk.f32 $0xffff, v0  }
0x170: {  	v0 =	vmov s31  }
0x171: {  	v0 =	vand.u32 $0xFFFFFFFE, v0  }
0x172: {  	v1 =	vmov s29;
	v0 =	vbroadcast v0, $0x0  }
0x173: {  	s0 =	sadd.s32 $0x1, s29;
	v1 =	vand.u32 $0xFFFFFFFE, v1  }
0x174: {  	v2 =	vmov s0;
	v1 =	vbroadcast v1, $0x0;
	_ =	sdelay $0x2  }
0x175: {  	v3, _, _ =	vpop (xrf2)  }
0x176: {  	[tilespmem:v0+s17+$0x0] =	vst.idx.msk vm0, v3;
	v4, _, _ =	vpop (xrf2)  }
0x177: {  	[tilespmem:v2+s17+$0x0] =	vst.idx.msk vm0, v4;
	v0, _, _ =	vpop (xrf2)  }
0x178: {  	[tilespmem:v1+s17+$0x0] =	vst.idx.msk vm0, v0  }
0x179: {  	_ =	swait.ge [sflag:s18], $0x2000  }
0x17a: {  	[sflag:s18] =	ssyncset.done $0x0  }
0x17b: {  	[sflag:s18] =	ssyncadd.s32 $0xFFFFE000  }
0x17c: {  	_ =	swait.ge [sflag:s18], $0x2000  }
0x17d: {  	[sflag:s18] =	ssyncset.done $0x0  }
0x17e: {  	[sflag:s18] =	ssyncadd.s32 $0xFFFFE000  }
0x17f: {  	_ =	swait.ge [sflag:s18], $0x2000  }
0x180: {  	[sflag:s18] =	ssyncset.done $0x0  }
0x181: {  	[sflag:s18] =	ssyncadd.s32 $0xFFFFE000  }
0x182: {  	_ =	swait.ge [sflag:s18], $0x2000  }
0x183: {  	[sflag:s18] =	ssyncset.done $0x0  }
0x184: {  	s7 =	simm.s32 $0x21F0;
	[sflag:s18] =	ssyncadd.s32 $0xFFFFE000  }
0x185: {  	s8 =	simm.s32 $0x61F0;
	v0 =	vld [tilespmem:s7+$0xFFFFFF90]  }
0x186: {  	s24 =	simm.s32 $0xA1F0;
	v1 =	vld [tilespmem:s8+$0xFFFFFF90]  }
0x187: {  	s0 =	simm.s32 $0x121F0;
	v2 =	vld [tilespmem:s24+$0xFFFFFF90]  }
0x188: {  	s2 =	simm.s32 $0xE1F0;
	v3 =	vld [tilespmem:s0+$0xFFFFFF90]  }
0x189: {  	s31 =	simm.s32 $0x161F0;
	v4 =	vld [tilespmem:s2+$0xFFFFFF90]  }
0x18a: {  	v5 =	vld [tilespmem:s31+$0xFFFFFF90]  }
0x18b: {  	v59 =	vld [tilespmem:s7+$0xFFFFFFA0]  }
0x18c: {  	v60 =	vld [tilespmem:s8+$0xFFFFFFA0]  }
0x18d: {  	v61 =	vld [tilespmem:s24+$0xFFFFFFA0]  }
0x18e: {  	v62 =	vld [tilespmem:s0+$0xFFFFFFA0]  }
0x18f: {  	v10 =	vld [tilespmem:s2+$0xFFFFFFA0]  }
0x190: {  	v63 =	vld [tilespmem:s31+$0xFFFFFFA0]  }
0x191: {  	v12 =	vld [tilespmem:s7+$0xFFFFFFB0]  }
0x192: {  	v13 =	vld [tilespmem:s8+$0xFFFFFFB0]  }
0x193: {  	v14 =	vld [tilespmem:s24+$0xFFFFFFB0]  }
0x194: {  	v15 =	vld [tilespmem:s0+$0xFFFFFFB0]  }
0x195: {  	v16 =	vld [tilespmem:s2+$0xFFFFFFB0]  }
0x196: {  	v17 =	vld [tilespmem:s31+$0xFFFFFFB0]  }
0x197: {  	v18 =	vld [tilespmem:s7+$0xFFFFFFC0]  }
0x198: {  	v19 =	vld [tilespmem:s8+$0xFFFFFFC0]  }
0x199: {  	v20 =	vld [tilespmem:s24+$0xFFFFFFC0]  }
0x19a: {  	v42 =	vld [tilespmem:s0+$0xFFFFFFC0]  }
0x19b: {  	v22 =	vld [tilespmem:s2+$0xFFFFFFC0]  }
0x19c: {  	v43 =	vld [tilespmem:s31+$0xFFFFFFC0]  }
0x19d: {  	v24 =	vld [tilespmem:s7+$0xFFFFFFD0]  }
0x19e: {  	v44 =	vld [tilespmem:s8+$0xFFFFFFD0]  }
0x19f: {  	v45 =	vld [tilespmem:s24+$0xFFFFFFD0]  }
0x1a0: {  	v46 =	vld [tilespmem:s0+$0xFFFFFFD0]  }
0x1a1: {  	v47 =	vld [tilespmem:s2+$0xFFFFFFD0]  }
0x1a2: {  	v48 =	vld [tilespmem:s31+$0xFFFFFFD0]  }
0x1a3: {  	v49 =	vld [tilespmem:s7+$0xFFFFFFE0]  }
0x1a4: {  	v50 =	vld [tilespmem:s8+$0xFFFFFFE0]  }
0x1a5: {  	v51 =	vld [tilespmem:s24+$0xFFFFFFE0]  }
0x1a6: {  	v52 =	vld [tilespmem:s0+$0xFFFFFFE0]  }
0x1a7: {  	v53 =	vld [tilespmem:s2+$0xFFFFFFE0]  }
0x1a8: {  	v54 =	vld [tilespmem:s31+$0xFFFFFFE0]  }
0x1a9: {  	v55 =	vld [tilespmem:s7+$0xFFFFFFF0]  }
0x1aa: {  	v56 =	vld [tilespmem:s8+$0xFFFFFFF0]  }
0x1ab: {  	v57 =	vld [tilespmem:s24+$0xFFFFFFF0]  }
0x1ac: {  	v58 =	vld [tilespmem:s0+$0xFFFFFFF0];
	v0 =	vmul.f32 v1, v0;
	v1 =	vmul.f32 v3, v2  }
0x1ad: {  	v40 =	vld [tilespmem:s24+$0xFFFFFF10]  }
0x1ae: {  	v41 =	vld [tilespmem:s24+$0xFFFFFF20];
	v0 =	vadd.f32 v1, v0;
	v1 =	vmul.f32 v5, v4  }
0x1af: {  	v2 =	vld [tilespmem:s2+$0xFFFFFFF0]  }
0x1b0: {  	v3 =	vld [tilespmem:s31+$0xFFFFFFF0];
	v0 =	vadd.f32 v1, v0;
	v1 =	vmul.f32 v60, v59  }
0x1b1: {  	v4 =	vld [tilespmem:s7+$0x0]  }
0x1b2: {  	v5 =	vld [tilespmem:s8+$0x0];
	v0 =	vadd.f32 v1, v0;
	v1 =	vmul.f32 v62, v61  }
0x1b3: {  	v59 =	vld [tilespmem:s24+$0x0]  }
0x1b4: {  	v60 =	vld [tilespmem:s0+$0x0];
	v0 =	vadd.f32 v1, v0;
	v1 =	vmul.f32 v63, v10  }
0x1b5: {  	v61 =	vld [tilespmem:s2+$0x0]  }
0x1b6: {  	v63 =	vld [tilespmem:s8+$0xFFFFFF10];
	v0 =	vadd.f32 v1, v0;
	v1 =	vmul.f32 v13, v12  }
0x1b7: {  	v12 =	vld [tilespmem:s0+$0xFFFFFF10]  }
0x1b8: {  	v13 =	vld [tilespmem:s7+$0xFFFFFF10];
	v0 =	vadd.f32 v1, v0;
	v1 =	vmul.f32 v15, v14  }
0x1b9: {  	v14 =	vld [tilespmem:s2+$0xFFFFFF10]  }
0x1ba: {  	v15 =	vld [tilespmem:s31+$0xFFFFFF10];
	v0 =	vadd.f32 v1, v0;
	v1 =	vmul.f32 v17, v16  }
0x1bb: {  	v16 =	vld [tilespmem:s7+$0xFFFFFF20]  }
0x1bc: {  	v17 =	vld [tilespmem:s8+$0xFFFFFF20];
	v0 =	vadd.f32 v1, v0;
	v1 =	vmul.f32 v19, v18  }
0x1bd: {  	v11 =	vmul.f32 v12, v40;
	v10 =	vmul.f32 v63, v13;
	v12 =	vld [tilespmem:s0+$0xFFFFFF20]  }
0x1be: {  	v13 =	vld [tilespmem:s2+$0xFFFFFF20];
	v0 =	vadd.f32 v1, v0;
	v1 =	vmul.f32 v42, v20  }
0x1bf: {  	v10 =	vadd.f32 v11, v10;
	v42 =	vmul.f32 v15, v14;
	v14 =	vld [tilespmem:s31+$0xFFFFFF20]  }
0x1c0: {  	v15 =	vld [tilespmem:s7+$0xFFFFFF30];
	v0 =	vadd.f32 v1, v0;
	v1 =	vmul.f32 v43, v22  }
0x1c1: {  	v10 =	vadd.f32 v42, v10;
	v43 =	vmul.f32 v17, v16;
	v16 =	vld [tilespmem:s8+$0xFFFFFF30]  }
0x1c2: {  	v17 =	vld [tilespmem:s24+$0xFFFFFF30];
	v0 =	vadd.f32 v1, v0;
	v1 =	vmul.f32 v44, v24  }
0x1c3: {  	v10 =	vadd.f32 v43, v10;
	v44 =	vmul.f32 v12, v41;
	v12 =	vld [tilespmem:s0+$0xFFFFFF30]  }
0x1c4: {  	v0 =	vadd.f32 v1, v0;
	v1 =	vmul.f32 v46, v45;
	v45 =	vld [tilespmem:s2+$0xFFFFFF30]  }
0x1c5: {  	v10 =	vadd.f32 v44, v10;
	v46 =	vmul.f32 v14, v13;
	v13 =	vld [tilespmem:s31+$0xFFFFFF30]  }
0x1c6: {  	v14 =	vld [tilespmem:s7+$0xFFFFFF40];
	v0 =	vadd.f32 v1, v0;
	v1 =	vmul.f32 v48, v47  }
0x1c7: {  	v10 =	vadd.f32 v46, v10;
	v47 =	vmul.f32 v16, v15;
	v15 =	vld [tilespmem:s8+$0xFFFFFF40]  }
0x1c8: {  	v16 =	vld [tilespmem:s24+$0xFFFFFF40];
	v0 =	vadd.f32 v1, v0;
	v1 =	vmul.f32 v50, v49  }
0x1c9: {  	v48 =	vmul.f32 v12, v17;
	v12 =	vld [tilespmem:s0+$0xFFFFFF40];
	v10 =	vadd.f32 v47, v10  }
0x1ca: {  	v17 =	vld [tilespmem:s2+$0xFFFFFF40];
	v0 =	vadd.f32 v1, v0;
	v1 =	vmul.f32 v52, v51  }
0x1cb: {  	v50 =	vld [tilespmem:s7+$0xFFFFFF50];
	v49 =	vmul.f32 v13, v45;
	v10 =	vadd.f32 v48, v10  }
0x1cc: {  	v13 =	vld [tilespmem:s31+$0xFFFFFF40];
	v0 =	vadd.f32 v1, v0;
	v1 =	vmul.f32 v54, v53  }
0x1cd: {  	v51 =	vmul.f32 v15, v14;
	v14 =	vld [tilespmem:s8+$0xFFFFFF50];
	v10 =	vadd.f32 v49, v10  }
0x1ce: {  	v15 =	vld [tilespmem:s24+$0xFFFFFF50];
	v0 =	vadd.f32 v1, v0;
	v1 =	vmul.f32 v56, v55  }
0x1cf: {  	v52 =	vmul.f32 v12, v16;
	v12 =	vld [tilespmem:s0+$0xFFFFFF50];
	v10 =	vadd.f32 v51, v10  }
0x1d0: {  	v16 =	vld [tilespmem:s2+$0xFFFFFF50];
	v0 =	vadd.f32 v1, v0;
	v1 =	vmul.f32 v58, v57  }
0x1d1: {  	v53 =	vmul.f32 v13, v17;
	v13 =	vld [tilespmem:s31+$0xFFFFFF50];
	v10 =	vadd.f32 v52, v10  }
0x1d2: {  	v55 =	vld [tilespmem:s8+$0xFFFFFF60];
	v0 =	vadd.f32 v1, v0;
	v1 =	vmul.f32 v3, v2  }
0x1d3: {  	v54 =	vmul.f32 v14, v50;
	v2 =	vld [tilespmem:s7+$0xFFFFFF60];
	v3 =	vadd.f32 v53, v10  }
0x1d4: {  	v62 =	vld [tilespmem:s31+$0x0];
	v0 =	vadd.f32 v1, v0;
	v1 =	vmul.f32 v5, v4  }
0x1d5: {  	v56 =	vld [tilespmem:s0+$0xFFFFFF60];
	v3 =	vadd.f32 v54, v3;
	v5 =	vmul.f32 v12, v15  }
0x1d6: {  	v4 =	vld [tilespmem:s24+$0xFFFFFF60];
	v0 =	vadd.f32 v1, v0  }
0x1d7: {  	v57 =	vld [tilespmem:s2+$0xFFFFFF60];
	v1 =	vmul.f32 v60, v59;
	v3 =	vadd.f32 v5, v3;
	v5 =	vmul.f32 v13, v16  }
0x1d8: {  	v58 =	vld [tilespmem:s31+$0xFFFFFF60];
	v2 =	vmul.f32 v55, v2  }
0x1d9: {  	v59 =	vld [tilespmem:s7+$0xFFFFFF70];
	v0 =	vadd.f32 v1, v0;
	v1 =	vmul.f32 v62, v61;
	v3 =	vadd.f32 v5, v3  }
0x1da: {  	v5 =	vld [tilespmem:s8+$0xFFFFFF70]  }
0x1db: {  	v0 =	vadd.f32 v1, v0;
	v1 =	vld [tilespmem:s24+$0xFFFFFF70];
	v2 =	vadd.f32 v2, v3;
	v3 =	vmul.f32 v56, v4  }
0x1dc: {  	v4 =	vld [tilespmem:s0+$0xFFFFFF70]  }
0x1dd: {  	v60 =	vld [tilespmem:s2+$0xFFFFFF70];
	(xrf2) =	vadd.scan.msk.f32 $0xffff, v0;
	v0 =	vadd.f32 v3, v2;
	v2 =	vmul.f32 v58, v57  }
0x1de: {  	v3 =	vld [tilespmem:s31+$0xFFFFFF70]  }
0x1df: {  	v61 =	vld [tilespmem:s7+$0xFFFFFF80];
	v0 =	vadd.f32 v2, v0;
	v2 =	vmul.f32 v5, v59  }
0x1e0: {  	v5 =	vld [tilespmem:s8+$0xFFFFFF80]  }
0x1e1: {  	v62 =	vld [tilespmem:s24+$0xFFFFFF80];
	v1 =	vmul.f32 v4, v1;
	v2 =	vadd.f32 v2, v0  }
0x1e2: {  	s24 =	simm.s32 $0x41;
	v4 =	vld [tilespmem:s0+$0xFFFFFF80]  }
0x1e3: {  	v63 =	vmov s24;
	v0 =	vld [tilespmem:s2+$0xFFFFFF80];
	v3 =	vmul.f32 v3, v60;
	v2 =	vadd.f32 v1, v2  }
0x1e4: {  	s23 =	simm.s32 $0xA2F0;
	v1 =	vld [tilespmem:s31+$0xFFFFFF80]  }
0x1e5: {  	s5 =	simm.s32 $0x62F0;
	v14 =	vld [tilespmem:s23+$0xFFFFFF90];
	v2 =	vadd.f32 v3, v2;
	v3 =	vmul.f32 v5, v61  }
0x1e6: {  	v13 =	vld [tilespmem:s5+$0xFFFFFF90];
	s24 =	simm.s32 $0x122F0  }
0x1e7: {  	s30 =	simm.s32 $0x42;
	v15 =	vld [tilespmem:s24+$0xFFFFFF90];
	s2 =	simm.s32 $0x22F0;
	v5, _, _ =	vpop (xrf2);
	v2 =	vadd.f32 v3, v2;
	v3 =	vmul.f32 v4, v62  }
0x1e8: {  	s29 =	simm.s32 $0x40;
	s7 =	simm.s32 $0xE2F0;
	s8 =	simm.s32 $0x44;
	v12 =	vld [tilespmem:s2+$0xFFFFFF90];
	[tilespmem:v63+s17+$0x0] =	vst.idx.msk vm0, v5  }
.LBB2_4:
0x1e9: {  	p1 =	slt.u32 s8, $0x7E;
	v4 =	vld [tilespmem:s7+$0xFFFFFF90];
	v2 =	vadd.f32 v3, v2;
	v0 =	vmul.f32 v1, v0;
	s31 =	sadd.s32 $0x100, s31  }
0x1ea: {  	v1 =	vld [tilespmem:s31+$0xFFFFFF90]  }
0x1eb: {  	v3 =	vld [tilespmem:s2+$0xFFFFFFA0];
	v0 =	vadd.f32 v0, v2  }
0x1ec: {  	v2 =	vld [tilespmem:s5+$0xFFFFFFA0]  }
0x1ed: {  	v5 =	vmul.f32 v13, v12;
	v6 =	vmul.f32 v15, v14;
	v7 =	vld [tilespmem:s23+$0xFFFFFFA0];
	(xrf2) =	vadd.scan.msk.f32 $0xffff, v0  }
0x1ee: {  	v0 =	vld [tilespmem:s24+$0xFFFFFFA0]  }
0x1ef: {  	v5 =	vadd.f32 v6, v5;
	v1 =	vmul.f32 v1, v4;
	v4 =	vld [tilespmem:s7+$0xFFFFFFA0]  }
0x1f0: {  	v8 =	vmov s29;
	s29 =	smov.u32 s30;
	s30 =	smov.u32 s8;
	v6 =	vld [tilespmem:s31+$0xFFFFFFA0]  }
0x1f1: {  	v1 =	vadd.f32 v1, v5;
	v2 =	vmul.f32 v2, v3;
	v3 =	vld [tilespmem:s2+$0xFFFFFFB0];
	v5 =	vand.u32 $0xFFFFFFFE, v8  }
0x1f2: {  	v8 =	vld [tilespmem:s5+$0xFFFFFFB0];
	v5 =	vbroadcast v5, $0x0  }
0x1f3: {  	v1 =	vadd.f32 v2, v1;
	v0 =	vmul.f32 v0, v7;
	v2 =	vld [tilespmem:s23+$0xFFFFFFB0]  }
0x1f4: {  	v7 =	vld [tilespmem:s24+$0xFFFFFFB0]  }
0x1f5: {  	v0 =	vadd.f32 v0, v1;
	v1 =	vmul.f32 v6, v4;
	v4 =	vld [tilespmem:s7+$0xFFFFFFB0]  }
0x1f6: {  	v6 =	vld [tilespmem:s31+$0xFFFFFFB0]  }
0x1f7: {  	v0 =	vadd.f32 v1, v0;
	v1 =	vmul.f32 v8, v3;
	v3 =	vld [tilespmem:s2+$0xFFFFFFC0];
	v8, _, _ =	vpop (xrf2)  }
0x1f8: {  	v9 =	vld [tilespmem:s5+$0xFFFFFFC0];
	[tilespmem:v5+s17+$0x0] =	vst.idx.msk vm0, v8  }
0x1f9: {  	v0 =	vadd.f32 v1, v0;
	v1 =	vmul.f32 v7, v2;
	v2 =	vld [tilespmem:s23+$0xFFFFFFC0]  }
0x1fa: {  	v5 =	vld [tilespmem:s24+$0xFFFFFFC0]  }
0x1fb: {  	v0 =	vadd.f32 v1, v0;
	v1 =	vmul.f32 v6, v4;
	v4 =	vld [tilespmem:s7+$0xFFFFFFC0]  }
0x1fc: {  	v6 =	vld [tilespmem:s31+$0xFFFFFFC0]  }
0x1fd: {  	v0 =	vadd.f32 v1, v0;
	v1 =	vmul.f32 v9, v3;
	v3 =	vld [tilespmem:s2+$0xFFFFFFD0]  }
0x1fe: {  	v7 =	vld [tilespmem:s5+$0xFFFFFFD0]  }
0x1ff: {  	v0 =	vadd.f32 v1, v0;
	v1 =	vmul.f32 v5, v2;
	v2 =	vld [tilespmem:s23+$0xFFFFFFD0]  }
0x200: {  	v5 =	vld [tilespmem:s24+$0xFFFFFFD0]  }
0x201: {  	v0 =	vadd.f32 v1, v0;
	v1 =	vmul.f32 v6, v4;
	v4 =	vld [tilespmem:s7+$0xFFFFFFD0]  }
0x202: {  	v6 =	vld [tilespmem:s31+$0xFFFFFFD0]  }
0x203: {  	v0 =	vadd.f32 v1, v0;
	v1 =	vmul.f32 v7, v3;
	v3 =	vld [tilespmem:s2+$0xFFFFFFE0]  }
0x204: {  	v7 =	vld [tilespmem:s5+$0xFFFFFFE0]  }
0x205: {  	v0 =	vadd.f32 v1, v0;
	v1 =	vmul.f32 v5, v2;
	v2 =	vld [tilespmem:s23+$0xFFFFFFE0]  }
0x206: {  	v5 =	vld [tilespmem:s24+$0xFFFFFFE0]  }
0x207: {  	v0 =	vadd.f32 v1, v0;
	v1 =	vmul.f32 v6, v4;
	v4 =	vld [tilespmem:s7+$0xFFFFFFE0]  }
0x208: {  	v6 =	vld [tilespmem:s31+$0xFFFFFFE0]  }
0x209: {  	v0 =	vadd.f32 v1, v0;
	v1 =	vmul.f32 v7, v3;
	v3 =	vld [tilespmem:s2+$0xFFFFFFF0]  }
0x20a: {  	v7 =	vld [tilespmem:s5+$0xFFFFFFF0]  }
0x20b: {  	v0 =	vadd.f32 v1, v0;
	v1 =	vmul.f32 v5, v2;
	v2 =	vld [tilespmem:s23+$0xFFFFFFF0]  }
0x20c: {  	v5 =	vld [tilespmem:s24+$0xFFFFFFF0]  }
0x20d: {  	v0 =	vadd.f32 v1, v0;
	v1 =	vmul.f32 v6, v4;
	v4 =	vld [tilespmem:s7+$0xFFFFFFF0]  }
0x20e: {  	v6 =	vld [tilespmem:s31+$0xFFFFFFF0]  }
0x20f: {  	v0 =	vadd.f32 v1, v0;
	v1 =	vmul.f32 v7, v3;
	v3 =	vld [tilespmem:s2+$0x0]  }
0x210: {  	v7 =	vld [tilespmem:s5+$0x0]  }
0x211: {  	v0 =	vadd.f32 v1, v0;
	v1 =	vmul.f32 v5, v2;
	v2 =	vld [tilespmem:s23+$0x0]  }
0x212: {  	v5 =	vld [tilespmem:s24+$0x0]  }
0x213: {  	v0 =	vadd.f32 v1, v0;
	v1 =	vmul.f32 v6, v4;
	v4 =	vld [tilespmem:s7+$0x0]  }
0x214: {  	v6 =	vld [tilespmem:s31+$0x0]  }
0x215: {  	v8 =	vld [tilespmem:s5+$0xFFFFFF10];
	v0 =	vadd.f32 v1, v0;
	v1 =	vmul.f32 v7, v3  }
0x216: {  	v3 =	vld [tilespmem:s23+$0xFFFFFF10]  }
0x217: {  	v7 =	vld [tilespmem:s24+$0xFFFFFF10];
	v0 =	vadd.f32 v1, v0;
	v1 =	vmul.f32 v5, v2  }
0x218: {  	v2 =	vld [tilespmem:s2+$0xFFFFFF10]  }
0x219: {  	v5 =	vld [tilespmem:s7+$0xFFFFFF10];
	v0 =	vadd.f32 v1, v0;
	v1 =	vmul.f32 v6, v4  }
0x21a: {  	v4 =	vld [tilespmem:s31+$0xFFFFFF10]  }
0x21b: {  	v6 =	vld [tilespmem:s2+$0xFFFFFF20];
	v0 =	vadd.f32 v1, v0  }
0x21c: {  	v1 =	vmul.f32 v7, v3;
	v3 =	vld [tilespmem:s5+$0xFFFFFF20]  }
0x21d: {  	v2 =	vmul.f32 v8, v2;
	v7 =	vld [tilespmem:s23+$0xFFFFFF20];
	(xrf2) =	vadd.scan.msk.f32 $0xffff, v0  }
0x21e: {  	v0 =	vld [tilespmem:s24+$0xFFFFFF20]  }
0x21f: {  	v1 =	vadd.f32 v1, v2;
	v2 =	vmul.f32 v4, v5;
	v4 =	vld [tilespmem:s7+$0xFFFFFF20]  }
0x220: {  	v5 =	vld [tilespmem:s31+$0xFFFFFF20]  }
0x221: {  	v1 =	vadd.f32 v2, v1;
	v2 =	vmul.f32 v3, v6;
	v3 =	vld [tilespmem:s2+$0xFFFFFF30]  }
0x222: {  	s0 =	sadd.s32 $0x1, s29;
	v6 =	vld [tilespmem:s5+$0xFFFFFF30]  }
0x223: {  	v1 =	vadd.f32 v2, v1;
	v0 =	vmul.f32 v0, v7;
	v2 =	vld [tilespmem:s23+$0xFFFFFF30];
	v7 =	vmov s0  }
0x224: {  	v8 =	vld [tilespmem:s24+$0xFFFFFF30]  }
0x225: {  	v0 =	vadd.f32 v0, v1;
	v1 =	vmul.f32 v5, v4;
	v4 =	vld [tilespmem:s7+$0xFFFFFF30]  }
0x226: {  	v5 =	vld [tilespmem:s31+$0xFFFFFF30]  }
0x227: {  	v0 =	vadd.f32 v1, v0;
	v1 =	vmul.f32 v6, v3;
	v3 =	vld [tilespmem:s2+$0xFFFFFF40];
	v6, _, _ =	vpop (xrf2)  }
0x228: {  	v9 =	vld [tilespmem:s5+$0xFFFFFF40];
	[tilespmem:v7+s17+$0x0] =	vst.idx.msk vm0, v6  }
0x229: {  	v0 =	vadd.f32 v1, v0;
	v1 =	vmul.f32 v8, v2;
	v2 =	vld [tilespmem:s23+$0xFFFFFF40]  }
0x22a: {  	v6 =	vld [tilespmem:s24+$0xFFFFFF40]  }
0x22b: {  	v0 =	vadd.f32 v1, v0;
	v1 =	vmul.f32 v5, v4;
	v4 =	vld [tilespmem:s7+$0xFFFFFF40]  }
0x22c: {  	v5 =	vld [tilespmem:s31+$0xFFFFFF40]  }
0x22d: {  	v0 =	vadd.f32 v1, v0;
	v1 =	vmul.f32 v9, v3;
	v3 =	vld [tilespmem:s2+$0xFFFFFF50]  }
0x22e: {  	v7 =	vld [tilespmem:s5+$0xFFFFFF50]  }
0x22f: {  	v0 =	vadd.f32 v1, v0;
	v1 =	vmul.f32 v6, v2;
	v2 =	vld [tilespmem:s23+$0xFFFFFF50]  }
0x230: {  	v6 =	vld [tilespmem:s24+$0xFFFFFF50]  }
0x231: {  	v0 =	vadd.f32 v1, v0;
	v1 =	vmul.f32 v5, v4;
	v4 =	vld [tilespmem:s7+$0xFFFFFF50]  }
0x232: {  	v5 =	vld [tilespmem:s31+$0xFFFFFF50]  }
0x233: {  	v0 =	vadd.f32 v1, v0;
	v1 =	vmul.f32 v7, v3;
	v3 =	vld [tilespmem:s2+$0xFFFFFF60]  }
0x234: {  	v7 =	vld [tilespmem:s5+$0xFFFFFF60]  }
0x235: {  	v0 =	vadd.f32 v1, v0;
	v1 =	vmul.f32 v6, v2;
	v2 =	vld [tilespmem:s23+$0xFFFFFF60]  }
0x236: {  	v6 =	vld [tilespmem:s24+$0xFFFFFF60]  }
0x237: {  	v0 =	vadd.f32 v1, v0;
	v1 =	vmul.f32 v5, v4;
	v4 =	vld [tilespmem:s7+$0xFFFFFF60]  }
0x238: {  	v5 =	vld [tilespmem:s31+$0xFFFFFF60]  }
0x239: {  	v0 =	vadd.f32 v1, v0;
	v1 =	vmul.f32 v7, v3;
	v3 =	vld [tilespmem:s2+$0xFFFFFF70]  }
0x23a: {  	v7 =	vld [tilespmem:s5+$0xFFFFFF70]  }
0x23b: {  	v0 =	vadd.f32 v1, v0;
	v1 =	vmul.f32 v6, v2;
	v2 =	vld [tilespmem:s23+$0xFFFFFF70]  }
0x23c: {  	v6 =	vld [tilespmem:s24+$0xFFFFFF70]  }
0x23d: {  	v0 =	vadd.f32 v1, v0;
	v1 =	vmul.f32 v5, v4;
	v4 =	vld [tilespmem:s7+$0xFFFFFF70]  }
0x23e: {  	v5 =	vld [tilespmem:s31+$0xFFFFFF70]  }
0x23f: {  	v0 =	vadd.f32 v1, v0;
	v1 =	vmul.f32 v7, v3;
	v3 =	vld [tilespmem:s2+$0xFFFFFF80]  }
0x240: {  	v7 =	vld [tilespmem:s5+$0xFFFFFF80]  }
0x241: {  	v0 =	vadd.f32 v1, v0;
	v1 =	vmul.f32 v6, v2;
	v6 =	vld [tilespmem:s23+$0xFFFFFF80]  }
0x242: {  	v8 =	vld [tilespmem:s24+$0xFFFFFF80]  }
0x243: {  	v2 =	vadd.f32 v1, v0;
	v4 =	vmul.f32 v5, v4;
	v0 =	vld [tilespmem:s7+$0xFFFFFF80]  }
.Ltmp1:
0x244: {  	s2 =	sadd.s32 $0x100, s2;
	v1 =	vld [tilespmem:s31+$0xFFFFFF80];
	(pc) =	sbr.rel @p1 .LBB2_4-.Ltmp1, $4  }
0x245: {  	s5 =	sadd.s32 $0x100, s5;
	v12 =	vld [tilespmem:s2+$0xFFFFFF90];
	v2 =	vadd.f32 v4, v2;
	v3 =	vmul.f32 v7, v3  }
0x246: {  	s23 =	sadd.s32 $0x100, s23;
	v13 =	vld [tilespmem:s5+$0xFFFFFF90]  }
0x247: {  	s24 =	sadd.s32 $0x100, s24;
	v14 =	vld [tilespmem:s23+$0xFFFFFF90];
	v2 =	vadd.f32 v3, v2;
	v3 =	vmul.f32 v8, v6  }
0x248: {  	s8 =	sadd.s32 $0x2, s8;
	s7 =	sadd.s32 $0x100, s7;
	v15 =	vld [tilespmem:s24+$0xFFFFFF90]  }
0x249: {  	v16 =	vld [tilespmem:s7+$0xFFFFFF90]  }
0x24a: {  	v18 =	vld [tilespmem:s2+$0xFFFFFFA0]  }
0x24b: {  	v19 =	vld [tilespmem:s5+$0xFFFFFFA0]  }
0x24c: {  	v20 =	vld [tilespmem:s23+$0xFFFFFFA0]  }
0x24d: {  	v21 =	vld [tilespmem:s24+$0xFFFFFFA0]  }
0x24e: {  	v22 =	vld [tilespmem:s7+$0xFFFFFFA0]  }
0x24f: {  	v24 =	vld [tilespmem:s2+$0xFFFFFFB0]  }
0x250: {  	v25 =	vld [tilespmem:s5+$0xFFFFFFB0]  }
0x251: {  	v26 =	vld [tilespmem:s23+$0xFFFFFFB0]  }
0x252: {  	v27 =	vld [tilespmem:s24+$0xFFFFFFB0]  }
0x253: {  	v28 =	vld [tilespmem:s7+$0xFFFFFFB0]  }
0x254: {  	v30 =	vld [tilespmem:s2+$0xFFFFFFC0]  }
0x255: {  	v31 =	vld [tilespmem:s5+$0xFFFFFFC0]  }
0x256: {  	v32 =	vld [tilespmem:s23+$0xFFFFFFC0]  }
0x257: {  	v33 =	vld [tilespmem:s24+$0xFFFFFFC0]  }
0x258: {  	v34 =	vld [tilespmem:s7+$0xFFFFFFC0]  }
0x259: {  	v36 =	vld [tilespmem:s2+$0xFFFFFFD0]  }
0x25a: {  	v37 =	vld [tilespmem:s5+$0xFFFFFFD0]  }
0x25b: {  	v38 =	vld [tilespmem:s23+$0xFFFFFFD0]  }
0x25c: {  	v39 =	vld [tilespmem:s24+$0xFFFFFFD0]  }
0x25d: {  	v40 =	vld [tilespmem:s7+$0xFFFFFFD0]  }
0x25e: {  	v42 =	vld [tilespmem:s2+$0xFFFFFFE0]  }
0x25f: {  	v43 =	vld [tilespmem:s5+$0xFFFFFFE0]  }
0x260: {  	v44 =	vld [tilespmem:s23+$0xFFFFFFE0]  }
0x261: {  	v45 =	vld [tilespmem:s24+$0xFFFFFFE0]  }
0x262: {  	v46 =	vld [tilespmem:s7+$0xFFFFFFE0]  }
0x263: {  	v48 =	vld [tilespmem:s2+$0xFFFFFFF0]  }
0x264: {  	v49 =	vld [tilespmem:s5+$0xFFFFFFF0]  }
0x265: {  	v50 =	vld [tilespmem:s23+$0xFFFFFFF0]  }
0x266: {  	v51 =	vld [tilespmem:s24+$0xFFFFFFF0]  }
0x267: {  	v10 =	vld [tilespmem:s7+$0xFFFFFFF0]  }
0x268: {  	v8 =	vld [tilespmem:s2+$0x0]  }
0x269: {  	v9 =	vld [tilespmem:s5+$0x0]  }
0x26a: {  	v6 =	vld [tilespmem:s23+$0x0]  }
0x26b: {  	v7 =	vld [tilespmem:s24+$0x0]  }
0x26c: {  	v4 =	vld [tilespmem:s7+$0x0]  }
0x26d: {  	v52 =	vld [tilespmem:s5+$0xFFFFFF10]  }
0x26e: {  	v53 =	vld [tilespmem:s23+$0xFFFFFF10]  }
0x26f: {  	v54 =	vld [tilespmem:s24+$0xFFFFFF10]  }
0x270: {  	v55 =	vld [tilespmem:s2+$0xFFFFFF10]  }
0x271: {  	v56 =	vld [tilespmem:s7+$0xFFFFFF10]  }
0x272: {  	v58 =	vld [tilespmem:s2+$0xFFFFFF20]  }
0x273: {  	s8 =	sadd.s32 $0x100, s31;
	v60 =	vld [tilespmem:s5+$0xFFFFFF20]  }
0x274: {  	v17 =	vld [tilespmem:s8+$0xFFFFFF90]  }
0x275: {  	v23 =	vld [tilespmem:s8+$0xFFFFFFA0]  }
0x276: {  	v29 =	vld [tilespmem:s8+$0xFFFFFFB0]  }
0x277: {  	v35 =	vld [tilespmem:s8+$0xFFFFFFC0]  }
0x278: {  	v41 =	vld [tilespmem:s8+$0xFFFFFFD0]  }
0x279: {  	v47 =	vld [tilespmem:s8+$0xFFFFFFE0]  }
0x27a: {  	v57 =	vld [tilespmem:s8+$0xFFFFFF10]  }
0x27b: {  	v11 =	vld [tilespmem:s8+$0xFFFFFFF0]  }
0x27c: {  	v5 =	vld [tilespmem:s8+$0x0];
	v12 =	vmul.f32 v13, v12;
	v59 =	vmul.f32 v15, v14  }
0x27d: {  	v61 =	vmul.f32 v54, v53;
	v52 =	vmul.f32 v52, v55;
	v53 =	vld [tilespmem:s23+$0xFFFFFF20]  }
0x27e: {  	v12 =	vadd.f32 v59, v12;
	v62 =	vmul.f32 v17, v16;
	v16 =	vld [tilespmem:s24+$0xFFFFFF20]  }
0x27f: {  	v63 =	vmul.f32 v57, v56;
	v56 =	vld [tilespmem:s7+$0xFFFFFF20];
	v15 =	vadd.f32 v61, v52  }
0x280: {  	v57 =	vmul.f32 v19, v18;
	v59 =	vld [tilespmem:s8+$0xFFFFFF20];
	v12 =	vadd.f32 v62, v12  }
0x281: {  	v14 =	vmul.f32 v60, v58;
	v60 =	vld [tilespmem:s2+$0xFFFFFF30];
	v15 =	vadd.f32 v63, v15  }
0x282: {  	v61 =	vmul.f32 v21, v20;
	v62 =	vld [tilespmem:s5+$0xFFFFFF30];
	v12 =	vadd.f32 v57, v12  }
0x283: {  	v55 =	vld [tilespmem:s24+$0xFFFFFF30];
	v14 =	vadd.f32 v14, v15;
	v63 =	vmul.f32 v16, v53  }
0x284: {  	v54 =	vmul.f32 v23, v22;
	v53 =	vld [tilespmem:s23+$0xFFFFFF30];
	v12 =	vadd.f32 v61, v12  }
0x285: {  	v57 =	vld [tilespmem:s7+$0xFFFFFF30];
	v56 =	vmul.f32 v59, v56;
	v14 =	vadd.f32 v63, v14  }
0x286: {  	v58 =	vmul.f32 v25, v24;
	v59 =	vld [tilespmem:s8+$0xFFFFFF30];
	v12 =	vadd.f32 v54, v12  }
0x287: {  	v61 =	vld [tilespmem:s2+$0xFFFFFF40];
	v60 =	vmul.f32 v62, v60;
	v14 =	vadd.f32 v56, v14  }
0x288: {  	v62 =	vmul.f32 v27, v26;
	v63 =	vld [tilespmem:s5+$0xFFFFFF40];
	v12 =	vadd.f32 v58, v12  }
0x289: {  	v25 =	vld [tilespmem:s23+$0xFFFFFF40];
	v24 =	vmul.f32 v55, v53;
	v14 =	vadd.f32 v60, v14  }
0x28a: {  	v26 =	vmul.f32 v29, v28;
	v27 =	vld [tilespmem:s24+$0xFFFFFF40];
	v12 =	vadd.f32 v62, v12  }
0x28b: {  	v29 =	vld [tilespmem:s7+$0xFFFFFF40];
	v28 =	vmul.f32 v59, v57;
	v14 =	vadd.f32 v24, v14  }
0x28c: {  	v52 =	vmul.f32 v31, v30;
	v53 =	vld [tilespmem:s8+$0xFFFFFF40];
	v12 =	vadd.f32 v26, v12  }
0x28d: {  	v55 =	vld [tilespmem:s2+$0xFFFFFF50];
	v54 =	vmul.f32 v63, v61;
	v14 =	vadd.f32 v28, v14  }
0x28e: {  	v56 =	vmul.f32 v33, v32;
	v57 =	vld [tilespmem:s5+$0xFFFFFF50];
	v12 =	vadd.f32 v52, v12  }
0x28f: {  	v59 =	vld [tilespmem:s23+$0xFFFFFF50];
	v58 =	vmul.f32 v27, v25;
	v14 =	vadd.f32 v54, v14  }
0x290: {  	v60 =	vmul.f32 v35, v34;
	v61 =	vld [tilespmem:s24+$0xFFFFFF50];
	v12 =	vadd.f32 v56, v12  }
0x291: {  	v63 =	vld [tilespmem:s7+$0xFFFFFF50];
	v62 =	vmul.f32 v53, v29;
	v14 =	vadd.f32 v58, v14  }
0x292: {  	v25 =	vld [tilespmem:s8+$0xFFFFFF50];
	v24 =	vmul.f32 v37, v36;
	v12 =	vadd.f32 v60, v12  }
0x293: {  	v27 =	vld [tilespmem:s2+$0xFFFFFF60];
	v26 =	vmul.f32 v57, v55;
	v14 =	vadd.f32 v62, v14  }
0x294: {  	v28 =	vmul.f32 v39, v38;
	v29 =	vld [tilespmem:s5+$0xFFFFFF60];
	v12 =	vadd.f32 v24, v12  }
0x295: {  	v31 =	vld [tilespmem:s23+$0xFFFFFF60];
	v30 =	vmul.f32 v61, v59;
	v14 =	vadd.f32 v26, v14  }
0x296: {  	v32 =	vmul.f32 v41, v40;
	v33 =	vld [tilespmem:s24+$0xFFFFFF60];
	v12 =	vadd.f32 v28, v12  }
0x297: {  	v35 =	vld [tilespmem:s7+$0xFFFFFF60];
	v34 =	vmul.f32 v25, v63;
	v14 =	vadd.f32 v30, v14  }
0x298: {  	v36 =	vmul.f32 v43, v42;
	v37 =	vld [tilespmem:s8+$0xFFFFFF60];
	v12 =	vadd.f32 v32, v12  }
0x299: {  	v41 =	vld [tilespmem:s5+$0xFFFFFF70];
	v38 =	vmul.f32 v29, v27;
	v14 =	vadd.f32 v34, v14  }
0x29a: {  	v40 =	vmul.f32 v45, v44;
	v39 =	vld [tilespmem:s2+$0xFFFFFF70];
	v12 =	vadd.f32 v36, v12  }
0x29b: {  	v45 =	vld [tilespmem:s24+$0xFFFFFF70];
	v42 =	vmul.f32 v33, v31;
	v14 =	vadd.f32 v38, v14  }
0x29c: {  	v44 =	vmul.f32 v47, v46;
	v43 =	vld [tilespmem:s23+$0xFFFFFF70];
	v12 =	vadd.f32 v40, v12  }
0x29d: {  	v48 =	vmul.f32 v49, v48;
	v49 =	vld [tilespmem:s8+$0xFFFFFF70];
	v46 =	vmul.f32 v37, v35;
	v14 =	vadd.f32 v42, v14  }
0x29e: {  	v47 =	vld [tilespmem:s7+$0xFFFFFF70];
	v12 =	vadd.f32 v44, v12  }
0x29f: {  	v53 =	vld [tilespmem:s2+$0xFFFFFF80];
	v52 =	vmul.f32 v41, v39;
	v14 =	vadd.f32 v46, v14  }
0x2a0: {  	v55 =	vld [tilespmem:s5+$0xFFFFFF80];
	v54 =	vmul.f32 v51, v50;
	v12 =	vadd.f32 v48, v12  }
0x2a1: {  	v57 =	vld [tilespmem:s23+$0xFFFFFF80];
	v56 =	vmul.f32 v45, v43;
	v14 =	vadd.f32 v52, v14  }
0x2a2: {  	v10 =	vmul.f32 v11, v10;
	v58 =	vld [tilespmem:s24+$0xFFFFFF80];
	v12 =	vadd.f32 v54, v12  }
0x2a3: {  	v61 =	vld [tilespmem:s7+$0xFFFFFF80];
	v60 =	vmul.f32 v49, v47;
	v59 =	vadd.f32 v56, v14  }
0x2a4: {  	v8 =	vmul.f32 v9, v8;
	v62 =	vld [tilespmem:s8+$0xFFFFFF80];
	v10 =	vadd.f32 v10, v12  }
0x2a5: {  	v17 =	vmul.f32 v55, v53;
	v63 =	vadd.f32 v60, v59  }
0x2a6: {  	v2 =	vadd.f32 v3, v2;
	v6 =	vmul.f32 v7, v6;
	v18 =	vadd.f32 v8, v10  }
0x2a7: {  	v0 =	vmul.f32 v1, v0;
	v20 =	vmul.f32 v58, v57;
	v19 =	vadd.f32 v17, v63  }
0x2a8: {  	v4 =	vmul.f32 v5, v4;
	v3 =	vadd.f32 v6, v18  }
0x2a9: {  	v0 =	vadd.f32 v0, v2;
	v21 =	vmul.f32 v62, v61;
	v1 =	vadd.f32 v20, v19  }
0x2aa: {  	v3 =	vadd.f32 v4, v3  }
0x2ab: {  	(xrf2) =	vadd.scan.msk.f32 $0xffff, v0;
	v22 =	vadd.f32 v21, v1  }
0x2ac: {  	(xrf2) =	vadd.scan.msk.f32 $0xffff, v3  }
0x2ad: {  	(xrf2) =	vadd.scan.msk.f32 $0xffff, v22  }
0x2ae: {  	v23 =	vmov s29  }
0x2af: {  	v0 =	vand.u32 $0xFFFFFFFE, v23  }
0x2b0: {  	v0 =	vbroadcast v0, $0x0;
	v24 =	vmov s30  }
0x2b1: {  	s0 =	sadd.s32 $0x1, s30;
	v1 =	vand.u32 $0xFFFFFFFE, v24  }
0x2b2: {  	v25 =	vmov s0;
	v1 =	vbroadcast v1, $0x0;
	_ =	sdelay $0x2  }
0x2b3: {  	v26, _, _ =	vpop (xrf2)  }
0x2b4: {  	[tilespmem:v0+s17+$0x0] =	vst.idx.msk vm0, v26;
	v27, _, _ =	vpop (xrf2)  }
0x2b5: {  	[tilespmem:v25+s17+$0x0] =	vst.idx.msk vm0, v27;
	v28, _, _ =	vpop (xrf2)  }
0x2b6: {  	s0 =	simm.s32 @!p0 $0x5;
	[tilespmem:v1+s17+$0x0] =	vst.idx.msk vm0, v28  }
0x2b7: {  	_ =	swait.ge @!p0 [sflag:s0], $0x30E0  }
0x2b8: {  	[sflag:s0] =	ssyncset.done @!p0 $0x0  }
0x2b9: {  	[sflag:s0] =	ssyncadd.s32 @!p0 $0xFFFFCF20  }
0x2ba: {  	_ =	swait.ge @!p0 [sflag:s0], $0x30E0  }
0x2bb: {  	[sflag:s0] =	ssyncset.done @!p0 $0x0  }
0x2bc: {  	[sflag:s0] =	ssyncadd.s32 @!p0 $0xFFFFCF20  }
0x2bd: {  	[bflag:$0x0] =	sbarrier.arrive $0xFFFF  }
0x2be: {  	s29 =	simm.s32 $0x18100;
	s24 =	rddreg [dreg:$0xb]  }
0x2bf: {  	[tilespmem:s29], [sflag:$0x3] =	stream.indirect.gather [spmem:s24], $0x1, s9, s16, $0xb8;
	[tilespmem:$0x1B360] =	vst v63  }
0x2c0: {  	s31 =	simm.s32 $0x18180;
	s30 =	rddreg [dreg:$0xc]  }
0x2c1: {  	[tilespmem:s31], [sflag:$0x3] =	stream.indirect.gather [spmem:s30], $0x1, s16, s16, $0xb8;
	[tilespmem:$0x1B360] =	vst v63  }
0x2c2: {  	_ =	swait.ge [sflag:s21], $0x80  }
0x2c3: {  	[sflag:s21] =	ssyncset.done $0x0  }
0x2c4: {  	[sflag:s21] =	ssyncadd.s32 $0xFFFFFF80  }
0x2c5: {  	_ =	swait.ge [sflag:s21], $0x80  }
0x2c6: {  	[sflag:s21] =	ssyncset.done $0x0  }
0x2c7: {  	[sflag:s21] =	ssyncadd.s32 $0xFFFFFF80  }
0x2c8: {  	v29 =	vld [tilespmem:$0x18200]  }
0x2c9: {  	v30 =	vld [tilespmem:$0x18100]  }
0x2ca: {  	v31 =	vld [tilespmem:$0x18180]  }
0x2cb: {  	v32 =	vld [tilespmem:$0x18210]  }
0x2cc: {  	v33 =	vld [tilespmem:$0x18110]  }
0x2cd: {  	v34 =	vld [tilespmem:$0x18190]  }
0x2ce: {  	v35 =	vld [tilespmem:$0x18220]  }
0x2cf: {  	v36 =	vld [tilespmem:$0x18120]  }
0x2d0: {  	v37 =	vld [tilespmem:$0x181A0]  }
0x2d1: {  	v38 =	vld [tilespmem:$0x18230]  }
0x2d2: {  	v39 =	vld [tilespmem:$0x18130]  }
0x2d3: {  	v40 =	vld [tilespmem:$0x181B0]  }
0x2d4: {  	v41 =	vld [tilespmem:$0x18240]  }
0x2d5: {  	v42 =	vld [tilespmem:$0x18140]  }
0x2d6: {  	v43 =	vld [tilespmem:$0x181C0]  }
0x2d7: {  	v44 =	vld [tilespmem:$0x18250]  }
0x2d8: {  	v45 =	vld [tilespmem:$0x18150]  }
0x2d9: {  	v46 =	vld [tilespmem:$0x181D0]  }
0x2da: {  	v47 =	vld [tilespmem:$0x18260]  }
0x2db: {  	v48 =	vld [tilespmem:$0x18160];
	v0 =	vadd.f32 v30, v29  }
0x2dc: {  	v49 =	vld [tilespmem:$0x18270];
	v3 =	vadd.f32 v33, v32  }
0x2dd: {  	v51 =	vld [tilespmem:$0x18170];
	v50 =	vadd.f32 v36, v35;
	v0 =	vadd.f32 v31, v0  }
0x2de: {  	v53 =	vld [tilespmem:$0x181E0];
	v52 =	vadd.f32 v39, v38;
	v3 =	vadd.f32 v34, v3  }
0x2df: {  	v56 =	vld [tilespmem:$0x181F0];
	v55 =	vadd.f32 v42, v41;
	v54 =	vadd.f32 v37, v50;
	[tilespmem:$0x18200] =	vst v0  }
0x2e0: {  	v58 =	vadd.f32 v45, v44;
	v57 =	vadd.f32 v40, v52;
	[tilespmem:$0x18210] =	vst v3  }
0x2e1: {  	v1 =	vadd.f32 v48, v47;
	v59 =	vadd.f32 v43, v55;
	[tilespmem:$0x18220] =	vst v54  }
0x2e2: {  	v61 =	vadd.f32 v51, v49;
	v60 =	vadd.f32 v46, v58;
	[tilespmem:$0x18230] =	vst v57  }
0x2e3: {  	v62 =	vadd.f32 v53, v1;
	[tilespmem:$0x18240] =	vst v59  }
0x2e4: {  	s26 =	sadd.s32 $0x1, s26;
	v63 =	vadd.f32 v56, v61;
	[tilespmem:$0x18250] =	vst v60  }
0x2e5: {  	p1 =	sne.s32 s26, s15;
	[tilespmem:$0x18260] =	vst v62  }
.Ltmp2:
0x2e6: {  	[tilespmem:$0x18270] =	vst v63;
	(pc) =	sbr.rel @p1 .LBB2_1-.Ltmp2, $4  }
0x2e7: {  	[hbm4b:s14+s9] =	stream.linear.scatter [tilespmem:s17], [sflag:$0x6], $0x80, $0x38;
	[tilespmem:$0x1B360] =	vst v63  }
0x2e8: {  	_ =	swait.ge [sflag:s25], $0x80  }
0x2e9: {  	[sflag:s25] =	ssyncset.done $0x0  }
0x2ea: {  	[sflag:s25] =	ssyncadd.s32 $0xFFFFFF80  }
0x2eb: {  	_ =	sfence.sel $0x180000  }
0x2ec: {  	[bflag:$0x0] =	sbarrier.arrive $0xFFFF  }
0x2ed: {  	_ =	strace $0x90000047  }
0x2ee: {  	[bflag:$0x2] =	sbarrier.arrive $0xFFFF  }
0x2ef: {  	s0 =	rddreg [dreg:$0xd]  }
0x2f0: {  	s0 =	sadd.s32 @!p0 $0x100000, s0  }
0x2f1: {  	[sflag:s0] =	ssyncadd.tile.s32 @!p0 $0x1;
	_ =	shalt  }
.Lfunc_end2:
_tile_overlayer_lowered:
.L_overlay_start_2:
0x2f2: {  	(tag) =	ssettag $0x2  }
0x2f3: {  	s0 =	rddreg [dreg:$0x0];
	s2 =	stileid.u32  }
0x2f4: {  	s1 =	rddreg [dreg:$0x1];
	p0 =	sne.s32 s2, $0x0  }
0x2f5: {  	s3 =	rddreg [dreg:$0x2];
	[bflag:$0x3] =	sbarrier.arrive $0xFFFF;
	s2 =	simm.s32 @!p0 $0x1C06  }
0x2f6: {  	[timem:s3], [sflag:s2] =	dma.local @!p0 [hbm:s0], s1  }
0x2f7: {  	s0 =	simm.s32 @!p0 $0x6  }
0x2f8: {  	_ =	swait.ge @!p0 [sflag:s0], s1  }
0x2f9: {  	s1 =	ssub.s32 @!p0 $0x0, s1;
	[sflag:s0] =	ssyncset.done @!p0 $0x0  }
0x2fa: {  	[sflag:s0] =	ssyncadd.s32 @!p0 s1  }
0x2fb: {  	[bflag:$0x3] =	sbarrier.arrive $0xFFFF  }
0x2fc: {  	_ =	shalt  }

</sc_bundles>
